<compile_context>
chip_gen: v7x
topology: tpu7x:2x2x1
jax: 0.10.2.dev20260603
libtpu: 0.0.44.dev20260713+nightly
codegen_flags: <defaults>
</compile_context>

<pallas_src>
import functools

import jax
import jax.numpy as jnp
from jax.experimental import pallas as pl

NUM_CLASSES = 80
IMAGE_HW = (512.0, 512.0)
IOU_TH = 0.5
PRE_K = 1000
POST_K = 100
SCORE_TH = 0.05
MIN_H, MIN_W = 2.0, 2.0
P = 1024


def _decode_mask_kernel(a_ref, s_ref, d_ref, masked_ref, cls_ref, box_ref):
    a = a_ref[0]
    ax1, ay1, ax2, ay2 = a[0], a[1], a[2], a[3]
    aw = ax2 - ax1
    ah = ay2 - ay1
    axc = ax1 + 0.5 * aw
    ayc = ay1 + 0.5 * ah
    d = d_ref[0]
    dx, dy = d[0], d[1]
    dw = jnp.clip(d[2], -4.0, 4.0)
    dh = jnp.clip(d[3], -4.0, 4.0)
    cx = axc + dx * aw
    cy = ayc + dy * ah
    w = aw * jnp.exp(dw)
    h = ah * jnp.exp(dh)
    Hh, Ww = IMAGE_HW
    x1 = jnp.clip(cx - 0.5 * w, 0.0, Ww)
    y1 = jnp.clip(cy - 0.5 * h, 0.0, Hh)
    x2 = jnp.clip(cx + 0.5 * w, 0.0, Ww)
    y2 = jnp.clip(cy + 0.5 * h, 0.0, Hh)
    box_ref[0] = jnp.stack([x1, y1, x2, y2], axis=0)

    scores = s_ref[0]
    mx = jnp.max(scores, axis=1)
    idx = jax.lax.broadcasted_iota(jnp.int32, scores.shape, 1)
    cand = jnp.where(scores == mx[:, None], idx, NUM_CLASSES)
    cls = jnp.min(cand, axis=1)
    cls_ref[0, 0] = cls

    valid = (mx > SCORE_TH) & ((y2 - y1) > MIN_H) & ((x2 - x1) > MIN_W)
    masked_ref[0, 0] = jnp.where(valid, mx, -1e9)


def _nms_kernel(s_ref, b_ref, out_ref):
    s = s_ref[...]
    x1 = b_ref[:, 0]
    y1 = b_ref[:, 1]
    x2 = b_ref[:, 2]
    y2 = b_ref[:, 3]
    area = jnp.maximum(x2 - x1, 0.0) * jnp.maximum(y2 - y1, 0.0)
    ii = jax.lax.broadcasted_iota(jnp.int32, (1, P), 1)
    vals = jnp.stack([x1, y1, x2, y2, s], axis=0)

    def body(i, keep):
        m = (ii == i).astype(jnp.float32)
        ext = jnp.sum(vals * m[None], axis=2, keepdims=True)
        x1i = ext[0]
        y1i = ext[1]
        x2i = ext[2]
        y2i = ext[3]
        si = ext[4]
        ki = jnp.max(keep * m, axis=1, keepdims=True)
        ai = jnp.maximum(x2i - x1i, 0.0) * jnp.maximum(y2i - y1i, 0.0)
        iw = jnp.maximum(jnp.minimum(x2, x2i) - jnp.maximum(x1, x1i), 0.0)
        ih = jnp.maximum(jnp.minimum(y2, y2i) - jnp.maximum(y1, y1i), 0.0)
        inter = iw * ih
        union = area + ai - inter
        iou = inter / jnp.maximum(union, 1e-6)
        sup = (iou > IOU_TH) & ((si - s) > 0.0) & (ii > i) & (ki > 0.0)
        return jnp.where(sup, 0.0, keep)

    keep = jax.lax.fori_loop(0, PRE_K, body, jnp.ones(s.shape, jnp.float32))
    out_ref[...] = jnp.where((keep > 0.0) & (s > -1e8), s, -jnp.inf)


def kernel(anchors, cls_scores, box_deltas):
    B, N, C = cls_scores.shape
    BN = 2048
    NBLK = -(-N // BN)
    anchors_t = anchors.T[None]
    deltas_t = jnp.transpose(box_deltas, (0, 2, 1))

    masked, cls, boxes_t = pl.pallas_call(
        _decode_mask_kernel,
        grid=(B, NBLK),
        in_specs=[
            pl.BlockSpec((1, 4, BN), lambda b, j: (0, 0, j)),
            pl.BlockSpec((1, BN, C), lambda b, j: (b, j, 0)),
            pl.BlockSpec((1, 4, BN), lambda b, j: (b, 0, j)),
        ],
        out_specs=[
            pl.BlockSpec((1, 1, BN), lambda b, j: (b, 0, j)),
            pl.BlockSpec((1, 1, BN), lambda b, j: (b, 0, j)),
            pl.BlockSpec((1, 4, BN), lambda b, j: (b, 0, j)),
        ],
        out_shape=[
            jax.ShapeDtypeStruct((B, 1, N), jnp.float32),
            jax.ShapeDtypeStruct((B, 1, N), jnp.int32),
            jax.ShapeDtypeStruct((B, 4, N), jnp.float32),
        ],
    )(anchors_t, cls_scores, deltas_t)
    masked = masked[:, 0]
    cls = cls[:, 0]

    top_s, top_i = jax.lax.top_k(masked, PRE_K)
    b_sel = jnp.take_along_axis(boxes_t, top_i[:, None, :], axis=2)
    c_sel = jnp.take_along_axis(cls, top_i, axis=1)

    pad_n = P - PRE_K
    top_s_p = jnp.concatenate(
        [top_s, jnp.full((B, pad_n), -1e9, jnp.float32)], axis=1)
    b_p = jnp.concatenate(
        [b_sel, jnp.zeros((B, 4, pad_n), jnp.float32)], axis=2)
    c_p = jnp.concatenate(
        [c_sel, jnp.zeros((B, pad_n), jnp.int32)], axis=1)

    final = pl.pallas_call(
        _nms_kernel,
        out_shape=jax.ShapeDtypeStruct((B, P), jnp.float32),
    )(top_s_p, b_p)

    out_s, sel = jax.lax.top_k(final, POST_K)
    out_b = jnp.take_along_axis(b_p, sel[:, None, :], axis=2)
    out_b = jnp.transpose(out_b, (0, 2, 1))
    out_c = jnp.take_along_axis(c_p, sel, axis=1)

    pad = jnp.isfinite(out_s)
    out_b = jnp.where(pad[:, :, None], out_b, 0.0)
    out_s = jnp.where(pad, out_s, 0.0)
    out_c = jnp.where(pad, out_c, 0)
    return out_b, out_s, out_c

# --- scband reference (transcript-rebuilt; emitter-appended) ---
"""Pipeline reference for scband-anchor-post-process-15719580304314 (READ-ONLY COPY).

The authoritative reference and input builder live on the scoring server;
editing this copy changes nothing except your own understanding.
"""

import jax, jax.numpy as jnp
import numpy as np

NUM_CLASSES = 80
IMAGE_HW = (512, 512)
IOU_TH = 0.5
PRE_K = 1000
POST_K = 100
MARGIN = 0.0
SCORE_TH = 0.05
MIN_H, MIN_W = 2.0, 2.0
CLASS_OFFSET = 0
N = 20000
B = 4


def setup_inputs(seed: int = 0) -> dict:
    key = jax.random.key(seed)
    k1, k2, k3, k4, k5 = jax.random.split(key, 5)
    Hh, Ww = IMAGE_HW
    cx = jax.random.uniform(k1, (N,), minval=0.0, maxval=float(Ww))
    cy = jax.random.uniform(k2, (N,), minval=0.0, maxval=float(Hh))
    wh = jax.random.uniform(k3, (N, 2), minval=8.0, maxval=128.0)
    anchors = jnp.stack([cx - wh[:, 0] / 2, cy - wh[:, 1] / 2,
                         cx + wh[:, 0] / 2, cy + wh[:, 1] / 2], axis=1).astype(jnp.float32)
    cls_scores = jax.random.normal(k4, (B, N, NUM_CLASSES), dtype=jnp.float32)
    box_deltas = (jax.random.normal(k5, (B, N, 4), dtype=jnp.float32) * 0.1)
    return {"anchors": anchors, "cls_scores": cls_scores, "box_deltas": box_deltas}


def _decode(anchors, deltas):
    aw = anchors[:, 2] - anchors[:, 0]
    ah = anchors[:, 3] - anchors[:, 1]
    ax = anchors[:, 0] + 0.5 * aw
    ay = anchors[:, 1] + 0.5 * ah
    dx, dy = deltas[:, 0], deltas[:, 1]
    dw = jnp.clip(deltas[:, 2], -4.0, 4.0)
    dh = jnp.clip(deltas[:, 3], -4.0, 4.0)
    cx = ax + dx * aw
    cy = ay + dy * ah
    w = aw * jnp.exp(dw)
    h = ah * jnp.exp(dh)
    Hh, Ww = IMAGE_HW
    x1 = jnp.clip(cx - 0.5 * w, 0.0, float(Ww))
    y1 = jnp.clip(cy - 0.5 * h, 0.0, float(Hh))
    x2 = jnp.clip(cx + 0.5 * w, 0.0, float(Ww))
    y2 = jnp.clip(cy + 0.5 * h, 0.0, float(Hh))
    return jnp.stack([x1, y1, x2, y2], axis=1)


def _iou_matrix(boxes):
    x1, y1, x2, y2 = boxes[:, 0], boxes[:, 1], boxes[:, 2], boxes[:, 3]
    area = jnp.maximum(x2 - x1, 0.0) * jnp.maximum(y2 - y1, 0.0)
    ix1 = jnp.maximum(x1[:, None], x1[None, :])
    iy1 = jnp.maximum(y1[:, None], y1[None, :])
    ix2 = jnp.minimum(x2[:, None], x2[None, :])
    iy2 = jnp.minimum(y2[:, None], y2[None, :])
    inter = jnp.maximum(ix2 - ix1, 0.0) * jnp.maximum(iy2 - iy1, 0.0)
    union = area[:, None] + area[None, :] - inter
    return inter / jnp.maximum(union, 1e-6)


def _post_process_single(anchors, cls_scores, box_deltas):
    boxes = _decode(anchors, box_deltas)
    score = jnp.max(cls_scores, axis=-1)
    cls = jnp.argmax(cls_scores, axis=-1) + CLASS_OFFSET
    w = boxes[:, 2] - boxes[:, 0]
    h = boxes[:, 3] - boxes[:, 1]
    valid = (score > SCORE_TH) & (h > MIN_H) & (w > MIN_W)
    masked = jnp.where(valid, score, -1e9)
    top_s, top_i = jax.lax.top_k(masked, PRE_K)
    b = boxes[top_i]
    c = cls[top_i]
    iou = _iou_matrix(b)
    idxr = jnp.arange(PRE_K)

    def body(i, keep):
        suppress = (iou[i] > IOU_TH) & ((top_s[i] - top_s) > MARGIN) & (idxr > i) & keep[i]
        return keep & (~suppress)

    keep = jax.lax.fori_loop(0, PRE_K, body, jnp.ones((PRE_K,), dtype=bool))
    final = jnp.where(keep & (top_s > -1e8), top_s, -jnp.inf)
    out_s, sel = jax.lax.top_k(final, POST_K)
    out_b = b[sel]
    out_c = c[sel]
    pad = jnp.isfinite(out_s)
    out_b = jnp.where(pad[:, None], out_b, 0.0)
    out_s = jnp.where(pad, out_s, 0.0)
    out_c = jnp.where(pad, out_c, 0)
    return out_b, out_s, out_c


def reference(anchors, cls_scores, box_deltas):
    fn = jax.vmap(lambda s, d: _post_process_single(anchors, s, d))
    pred_boxes, pred_scores, pred_cls = fn(cls_scores, box_deltas)
    return pred_boxes, pred_scores, pred_cls

if __name__ == "__main__":
    import jax
    _d = setup_inputs()
    print(jax.jit(kernel)(*tuple(_d.values())))

</pallas_src>

<mosaic_0001>
module attributes {stable_mosaic.version = 14 : i64} {
  func.func @_decode_mask_kernel(%arg0: i32, %arg1: i32, %arg2: memref<1x4x2048xf32, #tpu.memory_space<vmem>>, %arg3: memref<1x2048x80xf32, #tpu.memory_space<vmem>>, %arg4: memref<1x4x2048xf32, #tpu.memory_space<vmem>>, %arg5: memref<1x1x2048xf32, #tpu.memory_space<vmem>>, %arg6: memref<1x1x2048xi32, #tpu.memory_space<vmem>>, %arg7: memref<1x4x2048xf32, #tpu.memory_space<vmem>>) attributes {dimension_semantics = [#tpu.dimension_semantics<arbitrary>, #tpu.dimension_semantics<arbitrary>], iteration_bounds = array<i64: 4, 10>, scalar_prefetch = 0 : i64, scratch_operands = 0 : i64, tpu.core_type = #tpu.core_type<tc>, window_params = [{transform_indices = @transform_0, window_bounds = array<i64: 1, 4, 2048>}, {transform_indices = @transform_1, window_bounds = array<i64: 1, 2048, 80>}, {transform_indices = @transform_2, window_bounds = array<i64: 1, 4, 2048>}, {transform_indices = @transform_3, window_bounds = array<i64: 1, 1, 2048>}, {transform_indices = @transform_4, window_bounds = array<i64: 1, 1, 2048>}, {transform_indices = @transform_5, window_bounds = array<i64: 1, 4, 2048>}]} {
    %get3A = arith.constant 0 : index
    %get3A_0 = arith.constant 0 : index
    %get3A_1 = arith.constant 0 : index
    %get3A_2 = vector.load %arg2[%get3A, %get3A_0, %get3A_1] : memref<1x4x2048xf32, #tpu.memory_space<vmem>>, vector<1x4x2048xf32>
    %get3A_3 = vector.shape_cast %get3A_2 : vector<1x4x2048xf32> to vector<4x2048xf32>
    %slice3A = vector.extract_strided_slice %get3A_3 {offsets = [0, 0], sizes = [1, 2048], strides = [1, 1]} : vector<4x2048xf32> to vector<1x2048xf32>
    %squeeze3A = vector.shape_cast %slice3A : vector<1x2048xf32> to vector<2048xf32>
    %slice3A_4 = vector.extract_strided_slice %get3A_3 {offsets = [1, 0], sizes = [1, 2048], strides = [1, 1]} : vector<4x2048xf32> to vector<1x2048xf32>
    %squeeze3A_5 = vector.shape_cast %slice3A_4 : vector<1x2048xf32> to vector<2048xf32>
    %slice3A_6 = vector.extract_strided_slice %get3A_3 {offsets = [2, 0], sizes = [1, 2048], strides = [1, 1]} : vector<4x2048xf32> to vector<1x2048xf32>
    %squeeze3A_7 = vector.shape_cast %slice3A_6 : vector<1x2048xf32> to vector<2048xf32>
    %slice3A_8 = vector.extract_strided_slice %get3A_3 {offsets = [3, 0], sizes = [1, 2048], strides = [1, 1]} : vector<4x2048xf32> to vector<1x2048xf32>
    %squeeze3A_9 = vector.shape_cast %slice3A_8 : vector<1x2048xf32> to vector<2048xf32>
    %sub3A = arith.subf %squeeze3A_7, %squeeze3A : vector<2048xf32>
    %sub3A_10 = arith.subf %squeeze3A_9, %squeeze3A_5 : vector<2048xf32>
    %mul3A = arith.constant 5.000000e-01 : f32
    %mul3A_11 = vector.broadcast %mul3A : f32 to vector<2048xf32>
    %mul3A_12 = arith.mulf %mul3A_11, %sub3A : vector<2048xf32>
    %add3A = arith.addf %squeeze3A, %mul3A_12 : vector<2048xf32>
    %mul3A_13 = arith.constant 5.000000e-01 : f32
    %mul3A_14 = vector.broadcast %mul3A_13 : f32 to vector<2048xf32>
    %mul3A_15 = arith.mulf %mul3A_14, %sub3A_10 : vector<2048xf32>
    %add3A_16 = arith.addf %squeeze3A_5, %mul3A_15 : vector<2048xf32>
    %get3A_17 = arith.constant 0 : index
    %get3A_18 = arith.constant 0 : index
    %get3A_19 = arith.constant 0 : index
    %get3A_20 = vector.load %arg4[%get3A_17, %get3A_18, %get3A_19] : memref<1x4x2048xf32, #tpu.memory_space<vmem>>, vector<1x4x2048xf32>
    %get3A_21 = vector.shape_cast %get3A_20 : vector<1x4x2048xf32> to vector<4x2048xf32>
    %slice3A_22 = vector.extract_strided_slice %get3A_21 {offsets = [0, 0], sizes = [1, 2048], strides = [1, 1]} : vector<4x2048xf32> to vector<1x2048xf32>
    %squeeze3A_23 = vector.shape_cast %slice3A_22 : vector<1x2048xf32> to vector<2048xf32>
    %slice3A_24 = vector.extract_strided_slice %get3A_21 {offsets = [1, 0], sizes = [1, 2048], strides = [1, 1]} : vector<4x2048xf32> to vector<1x2048xf32>
    %squeeze3A_25 = vector.shape_cast %slice3A_24 : vector<1x2048xf32> to vector<2048xf32>
    %slice3A_26 = vector.extract_strided_slice %get3A_21 {offsets = [2, 0], sizes = [1, 2048], strides = [1, 1]} : vector<4x2048xf32> to vector<1x2048xf32>
    %squeeze3A_27 = vector.shape_cast %slice3A_26 : vector<1x2048xf32> to vector<2048xf32>
    %jit3A = arith.constant -4.000000e+00 : f32
    %jit3A_28 = arith.constant 4.000000e+00 : f32
    %max3A = vector.broadcast %jit3A : f32 to vector<2048xf32>
    %max3A_29 = arith.maximumf %max3A, %squeeze3A_27 : vector<2048xf32>
    %min3A = vector.broadcast %jit3A_28 : f32 to vector<2048xf32>
    %min3A_30 = arith.minimumf %min3A, %max3A_29 : vector<2048xf32>
    %slice3A_31 = vector.extract_strided_slice %get3A_21 {offsets = [3, 0], sizes = [1, 2048], strides = [1, 1]} : vector<4x2048xf32> to vector<1x2048xf32>
    %squeeze3A_32 = vector.shape_cast %slice3A_31 : vector<1x2048xf32> to vector<2048xf32>
    %jit3A_33 = arith.constant -4.000000e+00 : f32
    %jit3A_34 = arith.constant 4.000000e+00 : f32
    %max3A_35 = vector.broadcast %jit3A_33 : f32 to vector<2048xf32>
    %max3A_36 = arith.maximumf %max3A_35, %squeeze3A_32 : vector<2048xf32>
    %min3A_37 = vector.broadcast %jit3A_34 : f32 to vector<2048xf32>
    %min3A_38 = arith.minimumf %min3A_37, %max3A_36 : vector<2048xf32>
    %mul3A_39 = arith.mulf %squeeze3A_23, %sub3A : vector<2048xf32>
    %add3A_40 = arith.addf %add3A, %mul3A_39 : vector<2048xf32>
    %mul3A_41 = arith.mulf %squeeze3A_25, %sub3A_10 : vector<2048xf32>
    %add3A_42 = arith.addf %add3A_16, %mul3A_41 : vector<2048xf32>
    %exp3A = math.exp %min3A_30 : vector<2048xf32>
    %mul3A_43 = arith.mulf %sub3A, %exp3A : vector<2048xf32>
    %exp3A_44 = math.exp %min3A_38 : vector<2048xf32>
    %mul3A_45 = arith.mulf %sub3A_10, %exp3A_44 : vector<2048xf32>
    %mul3A_46 = arith.constant 5.000000e-01 : f32
    %mul3A_47 = vector.broadcast %mul3A_46 : f32 to vector<2048xf32>
    %mul3A_48 = arith.mulf %mul3A_47, %mul3A_43 : vector<2048xf32>
    %sub3A_49 = arith.subf %add3A_40, %mul3A_48 : vector<2048xf32>
    %jit3A_50 = arith.constant 0.000000e+00 : f32
    %jit3A_51 = arith.constant 512 : i32
    %max3A_52 = vector.broadcast %jit3A_50 : f32 to vector<2048xf32>
    %max3A_53 = arith.maximumf %max3A_52, %sub3A_49 : vector<2048xf32>
    %convert_element_type3A = arith.sitofp %jit3A_51 : i32 to f32
    %min3A_54 = vector.broadcast %convert_element_type3A : f32 to vector<2048xf32>
    %min3A_55 = arith.minimumf %min3A_54, %max3A_53 : vector<2048xf32>
    %mul3A_56 = arith.constant 5.000000e-01 : f32
    %mul3A_57 = vector.broadcast %mul3A_56 : f32 to vector<2048xf32>
    %mul3A_58 = arith.mulf %mul3A_57, %mul3A_45 : vector<2048xf32>
    %sub3A_59 = arith.subf %add3A_42, %mul3A_58 : vector<2048xf32>
    %jit3A_60 = arith.constant 0.000000e+00 : f32
    %jit3A_61 = arith.constant 512 : i32
    %max3A_62 = vector.broadcast %jit3A_60 : f32 to vector<2048xf32>
    %max3A_63 = arith.maximumf %max3A_62, %sub3A_59 : vector<2048xf32>
    %convert_element_type3A_64 = arith.sitofp %jit3A_61 : i32 to f32
    %min3A_65 = vector.broadcast %convert_element_type3A_64 : f32 to vector<2048xf32>
    %min3A_66 = arith.minimumf %min3A_65, %max3A_63 : vector<2048xf32>
    %mul3A_67 = arith.constant 5.000000e-01 : f32
    %mul3A_68 = vector.broadcast %mul3A_67 : f32 to vector<2048xf32>
    %mul3A_69 = arith.mulf %mul3A_68, %mul3A_43 : vector<2048xf32>
    %add3A_70 = arith.addf %add3A_40, %mul3A_69 : vector<2048xf32>
    %jit3A_71 = arith.constant 0.000000e+00 : f32
    %jit3A_72 = arith.constant 512 : i32
    %max3A_73 = vector.broadcast %jit3A_71 : f32 to vector<2048xf32>
    %max3A_74 = arith.maximumf %max3A_73, %add3A_70 : vector<2048xf32>
    %convert_element_type3A_75 = arith.sitofp %jit3A_72 : i32 to f32
    %min3A_76 = vector.broadcast %convert_element_type3A_75 : f32 to vector<2048xf32>
    %min3A_77 = arith.minimumf %min3A_76, %max3A_74 : vector<2048xf32>
    %mul3A_78 = arith.constant 5.000000e-01 : f32
    %mul3A_79 = vector.broadcast %mul3A_78 : f32 to vector<2048xf32>
    %mul3A_80 = arith.mulf %mul3A_79, %mul3A_45 : vector<2048xf32>
    %add3A_81 = arith.addf %add3A_42, %mul3A_80 : vector<2048xf32>
    %jit3A_82 = arith.constant 0.000000e+00 : f32
    %jit3A_83 = arith.constant 512 : i32
    %max3A_84 = vector.broadcast %jit3A_82 : f32 to vector<2048xf32>
    %max3A_85 = arith.maximumf %max3A_84, %add3A_81 : vector<2048xf32>
    %convert_element_type3A_86 = arith.sitofp %jit3A_83 : i32 to f32
    %min3A_87 = vector.broadcast %convert_element_type3A_86 : f32 to vector<2048xf32>
    %min3A_88 = arith.minimumf %min3A_87, %max3A_85 : vector<2048xf32>
    %stack3A = vector.shape_cast %min3A_55 : vector<2048xf32> to vector<1x2048xf32>
    %stack3A_89 = vector.shape_cast %min3A_66 : vector<2048xf32> to vector<1x2048xf32>
    %stack3A_90 = vector.shape_cast %min3A_77 : vector<2048xf32> to vector<1x2048xf32>
    %stack3A_91 = vector.shape_cast %min3A_88 : vector<2048xf32> to vector<1x2048xf32>
    %stack3A_92 = tpu.concatenate %stack3A, %stack3A_89, %stack3A_90, %stack3A_91 in 0 : vector<1x2048xf32>, vector<1x2048xf32>, vector<1x2048xf32>, vector<1x2048xf32> -> vector<4x2048xf32>
    %swap3A = arith.constant 0 : index
    %swap3A_93 = arith.constant 0 : index
    %swap3A_94 = arith.constant 0 : index
    %swap3A_95 = vector.load %arg7[%swap3A, %swap3A_93, %swap3A_94] : memref<1x4x2048xf32, #tpu.memory_space<vmem>>, vector<1x4x2048xf32>
    %swap3A_96 = vector.shape_cast %swap3A_95 : vector<1x4x2048xf32> to vector<4x2048xf32>
    %swap3A_97 = vector.shape_cast %stack3A_92 : vector<4x2048xf32> to vector<1x4x2048xf32>
    tpu.vector_store %arg7[%swap3A, %swap3A_93, %swap3A_94], %swap3A_97 {strides = array<i32>} : memref<1x4x2048xf32, #tpu.memory_space<vmem>>, vector<1x4x2048xf32>,
    %get3A_98 = arith.constant 0 : index
    %get3A_99 = arith.constant 0 : index
    %get3A_100 = arith.constant 0 : index
    %get3A_101 = vector.load %arg3[%get3A_98, %get3A_99, %get3A_100] : memref<1x2048x80xf32, #tpu.memory_space<vmem>>, vector<1x2048x80xf32>
    %get3A_102 = vector.shape_cast %get3A_101 : vector<1x2048x80xf32> to vector<2048x80xf32>
    %reduce_max3A = arith.constant dense<0xFF800000> : vector<2048xf32>
    %reduce_max3A_103 = vector.multi_reduction <maximumf>, %get3A_102, %reduce_max3A [1] : vector<2048x80xf32> to vector<2048xf32>
    %iota3A = tpu.iota {dimensions = array<i32: 1>} : vector<2048x80xi32>
    %broadcast_in_dim3A = vector.shape_cast %reduce_max3A_103 : vector<2048xf32> to vector<2048x1xf32>
    %eq3A = vector.broadcast %broadcast_in_dim3A : vector<2048x1xf32> to vector<2048x80xf32>
    %eq3A_104 = arith.cmpf oeq, %get3A_102, %eq3A : vector<2048x80xf32>
    %jit3A_105 = arith.constant 80 : i32
    %broadcast_in_dim3A_106 = vector.broadcast %jit3A_105 : i32 to vector<2048x80xi32>
    %select_n3A = arith.select %eq3A_104, %iota3A, %broadcast_in_dim3A_106 : vector<2048x80xi1>, vector<2048x80xi32>
    %reduce_min3A = arith.constant dense<2147483647> : vector<2048xi32>
    %reduce_min3A_107 = vector.multi_reduction <minsi>, %select_n3A, %reduce_min3A [1] : vector<2048x80xi32> to vector<2048xi32>
    %swap3A_108 = arith.constant 0 : index
    %swap3A_109 = arith.constant 0 : index
    %swap3A_110 = arith.constant 0 : index
    %swap3A_111 = vector.load %arg6[%swap3A_108, %swap3A_109, %swap3A_110] : memref<1x1x2048xi32, #tpu.memory_space<vmem>>, vector<1x1x2048xi32>
    %swap3A_112 = vector.shape_cast %swap3A_111 : vector<1x1x2048xi32> to vector<2048xi32>
    %swap3A_113 = vector.shape_cast %reduce_min3A_107 : vector<2048xi32> to vector<1x1x2048xi32>
    tpu.vector_store %arg6[%swap3A_108, %swap3A_109, %swap3A_110], %swap3A_113 {strides = array<i32>} : memref<1x1x2048xi32, #tpu.memory_space<vmem>>, vector<1x1x2048xi32>,
    %gt3A = arith.constant 5.000000e-02 : f32
    %gt3A_114 = vector.broadcast %gt3A : f32 to vector<2048xf32>
    %gt3A_115 = arith.cmpf ogt, %reduce_max3A_103, %gt3A_114 : vector<2048xf32>
    %sub3A_116 = arith.subf %min3A_88, %min3A_66 : vector<2048xf32>
    %gt3A_117 = arith.constant 2.000000e+00 : f32
    %gt3A_118 = vector.broadcast %gt3A_117 : f32 to vector<2048xf32>
    %gt3A_119 = arith.cmpf ogt, %sub3A_116, %gt3A_118 : vector<2048xf32>
    %and3A = arith.andi %gt3A_115, %gt3A_119 : vector<2048xi1>
    %sub3A_120 = arith.subf %min3A_77, %min3A_55 : vector<2048xf32>
    %gt3A_121 = arith.constant 2.000000e+00 : f32
    %gt3A_122 = vector.broadcast %gt3A_121 : f32 to vector<2048xf32>
    %gt3A_123 = arith.cmpf ogt, %sub3A_120, %gt3A_122 : vector<2048xf32>
    %and3A_124 = arith.andi %and3A, %gt3A_123 : vector<2048xi1>
    %jit3A_125 = arith.constant -1.000000e+09 : f32
    %broadcast_in_dim3A_126 = vector.broadcast %jit3A_125 : f32 to vector<2048xf32>
    %select_n3A_127 = arith.select %and3A_124, %reduce_max3A_103, %broadcast_in_dim3A_126 : vector<2048xi1>, vector<2048xf32>
    %swap3A_128 = arith.constant 0 : index
    %swap3A_129 = arith.constant 0 : index
    %swap3A_130 = arith.constant 0 : index
    %swap3A_131 = vector.load %arg5[%swap3A_128, %swap3A_129, %swap3A_130] : memref<1x1x2048xf32, #tpu.memory_space<vmem>>, vector<1x1x2048xf32>
    %swap3A_132 = vector.shape_cast %swap3A_131 : vector<1x1x2048xf32> to vector<2048xf32>
    %swap3A_133 = vector.shape_cast %select_n3A_127 : vector<2048xf32> to vector<1x1x2048xf32>
    tpu.vector_store %arg5[%swap3A_128, %swap3A_129, %swap3A_130], %swap3A_133 {strides = array<i32>} : memref<1x1x2048xf32, #tpu.memory_space<vmem>>, vector<1x1x2048xf32>,
    return
  }
  func.func @transform_0(%arg0: i32, %arg1: i32) -> (i32, i32, i32) {
    %c0_i32 = arith.constant 0 : i32
    %c0_i32_0 = arith.constant 0 : i32
    %c0_i32_1 = arith.constant 0 : i32
    return %c0_i32, %c0_i32_0, %arg1 : i32, i32, i32
  }
  func.func @transform_1(%arg0: i32, %arg1: i32) -> (i32, i32, i32) {
    %c0_i32 = arith.constant 0 : i32
    %c0_i32_0 = arith.constant 0 : i32
    return %arg0, %arg1, %c0_i32 : i32, i32, i32
  }
  func.func @transform_2(%arg0: i32, %arg1: i32) -> (i32, i32, i32) {
    %c0_i32 = arith.constant 0 : i32
    %c0_i32_0 = arith.constant 0 : i32
    return %arg0, %c0_i32, %arg1 : i32, i32, i32
  }
  func.func @transform_3(%arg0: i32, %arg1: i32) -> (i32, i32, i32) {
    %c0_i32 = arith.constant 0 : i32
    %c0_i32_0 = arith.constant 0 : i32
    return %arg0, %c0_i32, %arg1 : i32, i32, i32
  }
  func.func @transform_4(%arg0: i32, %arg1: i32) -> (i32, i32, i32) {
    %c0_i32 = arith.constant 0 : i32
    %c0_i32_0 = arith.constant 0 : i32
    return %arg0, %c0_i32, %arg1 : i32, i32, i32
  }
  func.func @transform_5(%arg0: i32, %arg1: i32) -> (i32, i32, i32) {
    %c0_i32 = arith.constant 0 : i32
    %c0_i32_0 = arith.constant 0 : i32
    return %arg0, %c0_i32, %arg1 : i32, i32, i32
  }
}

module attributes {stable_mosaic.version = 14 : i64} {
  func.func @_nms_kernel(%arg0: memref<4x1024xf32, #tpu.memory_space<vmem>>, %arg1: memref<4x4x1024xf32, #tpu.memory_space<vmem>>, %arg2: memref<4x1024xf32, #tpu.memory_space<vmem>>) attributes {dimension_semantics = [], scalar_prefetch = 0 : i64, scratch_operands = 0 : i64, tpu.core_type = #tpu.core_type<tc>} {
    %get3A = arith.constant 0 : index
    %get3A_0 = arith.constant 0 : index
    %get3A_1 = vector.load %arg0[%get3A, %get3A_0] : memref<4x1024xf32, #tpu.memory_space<vmem>>, vector<4x1024xf32>
    %get3A_2 = arith.constant 0 : index
    %get3A_3 = arith.constant 0 : index
    %get3A_4 = arith.constant 0 : index
    %get3A_5 = vector.load %arg1[%get3A_2, %get3A_3, %get3A_4] : memref<4x4x1024xf32, #tpu.memory_space<vmem>>, vector<4x1x1024xf32>
    %get3A_6 = vector.shape_cast %get3A_5 : vector<4x1x1024xf32> to vector<4x1024xf32>
    %get3A_7 = arith.constant 0 : index
    %get3A_8 = arith.constant 1 : index
    %get3A_9 = arith.constant 0 : index
    %get3A_10 = vector.load %arg1[%get3A_7, %get3A_8, %get3A_9] : memref<4x4x1024xf32, #tpu.memory_space<vmem>>, vector<4x1x1024xf32>
    %get3A_11 = vector.shape_cast %get3A_10 : vector<4x1x1024xf32> to vector<4x1024xf32>
    %get3A_12 = arith.constant 0 : index
    %get3A_13 = arith.constant 2 : index
    %get3A_14 = arith.constant 0 : index
    %get3A_15 = vector.load %arg1[%get3A_12, %get3A_13, %get3A_14] : memref<4x4x1024xf32, #tpu.memory_space<vmem>>, vector<4x1x1024xf32>
    %get3A_16 = vector.shape_cast %get3A_15 : vector<4x1x1024xf32> to vector<4x1024xf32>
    %get3A_17 = arith.constant 0 : index
    %get3A_18 = arith.constant 3 : index
    %get3A_19 = arith.constant 0 : index
    %get3A_20 = vector.load %arg1[%get3A_17, %get3A_18, %get3A_19] : memref<4x4x1024xf32, #tpu.memory_space<vmem>>, vector<4x1x1024xf32>
    %get3A_21 = vector.shape_cast %get3A_20 : vector<4x1x1024xf32> to vector<4x1024xf32>
    %sub3A = arith.subf %get3A_16, %get3A_6 : vector<4x1024xf32>
    %max3A = arith.constant 0.000000e+00 : f32
    %max3A_22 = vector.broadcast %max3A : f32 to vector<4x1024xf32>
    %max3A_23 = arith.maximumf %sub3A, %max3A_22 : vector<4x1024xf32>
    %sub3A_24 = arith.subf %get3A_21, %get3A_11 : vector<4x1024xf32>
    %max3A_25 = arith.constant 0.000000e+00 : f32
    %max3A_26 = vector.broadcast %max3A_25 : f32 to vector<4x1024xf32>
    %max3A_27 = arith.maximumf %sub3A_24, %max3A_26 : vector<4x1024xf32>
    %mul3A = arith.mulf %max3A_23, %max3A_27 : vector<4x1024xf32>
    %iota3A = tpu.iota {dimensions = array<i32: 1>} : vector<1x1024xi32>
    %stack3A = vector.shape_cast %get3A_6 : vector<4x1024xf32> to vector<1x4x1024xf32>
    %stack3A_28 = vector.shape_cast %get3A_11 : vector<4x1024xf32> to vector<1x4x1024xf32>
    %stack3A_29 = vector.shape_cast %get3A_16 : vector<4x1024xf32> to vector<1x4x1024xf32>
    %stack3A_30 = vector.shape_cast %get3A_21 : vector<4x1024xf32> to vector<1x4x1024xf32>
    %stack3A_31 = vector.shape_cast %get3A_1 : vector<4x1024xf32> to vector<1x4x1024xf32>
    %stack3A_32 = tpu.concatenate %stack3A, %stack3A_28, %stack3A_29, %stack3A_30, %stack3A_31 in 0 : vector<1x4x1024xf32>, vector<1x4x1024xf32>, vector<1x4x1024xf32>, vector<1x4x1024xf32>, vector<1x4x1024xf32> -> vector<5x4x1024xf32>
    %broadcast_in_dim3A = arith.constant 1.000000e+00 : f32
    %broadcast_in_dim3A_33 = vector.broadcast %broadcast_in_dim3A : f32 to vector<4x1024xf32>
    %scan3A = arith.constant 0 : i32
    %scan3A_34 = arith.constant 1000 : i32
    %scan3A_35 = arith.addi %scan3A, %scan3A_34 : i32
    %scan3A_36 = arith.constant 1 : i32
    %scan3A_37 = scf.for %scan3A_47 = %scan3A to %scan3A_35 step %scan3A_36 iter_args(%scan3A_48 = %broadcast_in_dim3A_33) -> (vector<4x1024xf32>)  : i32 {
      %eq3A = vector.broadcast %scan3A_47 : i32 to vector<1x1024xi32>
      %eq3A_49 = arith.cmpi eq, %iota3A, %eq3A : vector<1x1024xi32>
      %convert_element_type3A = arith.extui %eq3A_49 : vector<1x1024xi1> to vector<1x1024xi32>
      %convert_element_type3A_50 = arith.sitofp %convert_element_type3A : vector<1x1024xi32> to vector<1x1024xf32>
      %broadcast_in_dim3A_51 = vector.shape_cast %convert_element_type3A_50 : vector<1x1024xf32> to vector<1x1x1024xf32>
      %mul3A_52 = vector.broadcast %broadcast_in_dim3A_51 : vector<1x1x1024xf32> to vector<5x4x1024xf32>
      %mul3A_53 = arith.mulf %stack3A_32, %mul3A_52 : vector<5x4x1024xf32>
      %reduce_sum3A = arith.constant dense<0.000000e+00> : vector<5x4xf32>
      %reduce_sum3A_54 = vector.multi_reduction <add>, %mul3A_53, %reduce_sum3A [2] : vector<5x4x1024xf32> to vector<5x4xf32>
      %broadcast_in_dim3A_55 = vector.shape_cast %reduce_sum3A_54 : vector<5x4xf32> to vector<5x4x1xf32>
      %slice3A = vector.extract_strided_slice %broadcast_in_dim3A_55 {offsets = [0, 0, 0], sizes = [1, 4, 1], strides = [1, 1, 1]} : vector<5x4x1xf32> to vector<1x4x1xf32>
      %squeeze3A = vector.shape_cast %slice3A : vector<1x4x1xf32> to vector<4x1xf32>
      %slice3A_56 = vector.extract_strided_slice %broadcast_in_dim3A_55 {offsets = [1, 0, 0], sizes = [1, 4, 1], strides = [1, 1, 1]} : vector<5x4x1xf32> to vector<1x4x1xf32>
      %squeeze3A_57 = vector.shape_cast %slice3A_56 : vector<1x4x1xf32> to vector<4x1xf32>
      %slice3A_58 = vector.extract_strided_slice %broadcast_in_dim3A_55 {offsets = [2, 0, 0], sizes = [1, 4, 1], strides = [1, 1, 1]} : vector<5x4x1xf32> to vector<1x4x1xf32>
      %squeeze3A_59 = vector.shape_cast %slice3A_58 : vector<1x4x1xf32> to vector<4x1xf32>
      %slice3A_60 = vector.extract_strided_slice %broadcast_in_dim3A_55 {offsets = [3, 0, 0], sizes = [1, 4, 1], strides = [1, 1, 1]} : vector<5x4x1xf32> to vector<1x4x1xf32>
      %squeeze3A_61 = vector.shape_cast %slice3A_60 : vector<1x4x1xf32> to vector<4x1xf32>
      %slice3A_62 = vector.extract_strided_slice %broadcast_in_dim3A_55 {offsets = [4, 0, 0], sizes = [1, 4, 1], strides = [1, 1, 1]} : vector<5x4x1xf32> to vector<1x4x1xf32>
      %squeeze3A_63 = vector.shape_cast %slice3A_62 : vector<1x4x1xf32> to vector<4x1xf32>
      %mul3A_64 = vector.broadcast %convert_element_type3A_50 : vector<1x1024xf32> to vector<4x1024xf32>
      %mul3A_65 = arith.mulf %scan3A_48, %mul3A_64 : vector<4x1024xf32>
      %reduce_max3A = arith.constant dense<0xFF800000> : vector<4xf32>
      %reduce_max3A_66 = vector.multi_reduction <maximumf>, %mul3A_65, %reduce_max3A [1] : vector<4x1024xf32> to vector<4xf32>
      %broadcast_in_dim3A_67 = vector.shape_cast %reduce_max3A_66 : vector<4xf32> to vector<4x1xf32>
      %sub3A_68 = arith.subf %squeeze3A_59, %squeeze3A : vector<4x1xf32>
      %max3A_69 = arith.constant 0.000000e+00 : f32
      %max3A_70 = vector.broadcast %max3A_69 : f32 to vector<4x1xf32>
      %max3A_71 = arith.maximumf %sub3A_68, %max3A_70 : vector<4x1xf32>
      %sub3A_72 = arith.subf %squeeze3A_61, %squeeze3A_57 : vector<4x1xf32>
      %max3A_73 = arith.constant 0.000000e+00 : f32
      %max3A_74 = vector.broadcast %max3A_73 : f32 to vector<4x1xf32>
      %max3A_75 = arith.maximumf %sub3A_72, %max3A_74 : vector<4x1xf32>
      %mul3A_76 = arith.mulf %max3A_71, %max3A_75 : vector<4x1xf32>
      %min3A = vector.broadcast %squeeze3A_59 : vector<4x1xf32> to vector<4x1024xf32>
      %min3A_77 = arith.minimumf %get3A_16, %min3A : vector<4x1024xf32>
      %max3A_78 = vector.broadcast %squeeze3A : vector<4x1xf32> to vector<4x1024xf32>
      %max3A_79 = arith.maximumf %get3A_6, %max3A_78 : vector<4x1024xf32>
      %sub3A_80 = arith.subf %min3A_77, %max3A_79 : vector<4x1024xf32>
      %max3A_81 = arith.constant 0.000000e+00 : f32
      %max3A_82 = vector.broadcast %max3A_81 : f32 to vector<4x1024xf32>
      %max3A_83 = arith.maximumf %sub3A_80, %max3A_82 : vector<4x1024xf32>
      %min3A_84 = vector.broadcast %squeeze3A_61 : vector<4x1xf32> to vector<4x1024xf32>
      %min3A_85 = arith.minimumf %get3A_21, %min3A_84 : vector<4x1024xf32>
      %max3A_86 = vector.broadcast %squeeze3A_57 : vector<4x1xf32> to vector<4x1024xf32>
      %max3A_87 = arith.maximumf %get3A_11, %max3A_86 : vector<4x1024xf32>
      %sub3A_88 = arith.subf %min3A_85, %max3A_87 : vector<4x1024xf32>
      %max3A_89 = arith.constant 0.000000e+00 : f32
      %max3A_90 = vector.broadcast %max3A_89 : f32 to vector<4x1024xf32>
      %max3A_91 = arith.maximumf %sub3A_88, %max3A_90 : vector<4x1024xf32>
      %mul3A_92 = arith.mulf %max3A_83, %max3A_91 : vector<4x1024xf32>
      %add3A = vector.broadcast %mul3A_76 : vector<4x1xf32> to vector<4x1024xf32>
      %add3A_93 = arith.addf %mul3A, %add3A : vector<4x1024xf32>
      %sub3A_94 = arith.subf %add3A_93, %mul3A_92 : vector<4x1024xf32>
      %max3A_95 = arith.constant 9.99999997E-7 : f32
      %max3A_96 = vector.broadcast %max3A_95 : f32 to vector<4x1024xf32>
      %max3A_97 = arith.maximumf %sub3A_94, %max3A_96 : vector<4x1024xf32>
      %div3A = arith.divf %mul3A_92, %max3A_97 : vector<4x1024xf32>
      %gt3A_98 = arith.constant 5.000000e-01 : f32
      %gt3A_99 = vector.broadcast %gt3A_98 : f32 to vector<4x1024xf32>
      %gt3A_100 = arith.cmpf ogt, %div3A, %gt3A_99 : vector<4x1024xf32>
      %sub3A_101 = vector.broadcast %squeeze3A_63 : vector<4x1xf32> to vector<4x1024xf32>
      %sub3A_102 = arith.subf %sub3A_101, %get3A_1 : vector<4x1024xf32>
      %gt3A_103 = arith.constant 0.000000e+00 : f32
      %gt3A_104 = vector.broadcast %gt3A_103 : f32 to vector<4x1024xf32>
      %gt3A_105 = arith.cmpf ogt, %sub3A_102, %gt3A_104 : vector<4x1024xf32>
      %and3A_106 = arith.andi %gt3A_100, %gt3A_105 : vector<4x1024xi1>
      %gt3A_107 = vector.broadcast %scan3A_47 : i32 to vector<1x1024xi32>
      %gt3A_108 = arith.cmpi sgt, %iota3A, %gt3A_107 : vector<1x1024xi32>
      %and3A_109 = vector.broadcast %gt3A_108 : vector<1x1024xi1> to vector<4x1024xi1>
      %and3A_110 = arith.andi %and3A_106, %and3A_109 : vector<4x1024xi1>
      %gt3A_111 = arith.constant 0.000000e+00 : f32
      %gt3A_112 = vector.broadcast %gt3A_111 : f32 to vector<4x1xf32>
      %gt3A_113 = arith.cmpf ogt, %broadcast_in_dim3A_67, %gt3A_112 : vector<4x1xf32>
      %and3A_114 = vector.broadcast %gt3A_113 : vector<4x1xi1> to vector<4x1024xi1>
      %and3A_115 = arith.andi %and3A_110, %and3A_114 : vector<4x1024xi1>
      %jit3A_116 = arith.constant 0.000000e+00 : f32
      %broadcast_in_dim3A_117 = vector.broadcast %jit3A_116 : f32 to vector<4x1024xf32>
      %select_n3A_118 = arith.select %and3A_115, %broadcast_in_dim3A_117, %scan3A_48 : vector<4x1024xi1>, vector<4x1024xf32>
      scf.yield %select_n3A_118 : vector<4x1024xf32>
    }
    %scan3A_38 = arith.constant 1000 : i32
    %gt3A = arith.constant 0.000000e+00 : f32
    %gt3A_39 = vector.broadcast %gt3A : f32 to vector<4x1024xf32>
    %gt3A_40 = arith.cmpf ogt, %scan3A_37, %gt3A_39 : vector<4x1024xf32>
    %gt3A_41 = arith.constant -1.000000e+08 : f32
    %gt3A_42 = vector.broadcast %gt3A_41 : f32 to vector<4x1024xf32>
    %gt3A_43 = arith.cmpf ogt, %get3A_1, %gt3A_42 : vector<4x1024xf32>
    %and3A = arith.andi %gt3A_40, %gt3A_43 : vector<4x1024xi1>
    %jit3A = arith.constant 0xFF800000 : f32
    %broadcast_in_dim3A_44 = vector.broadcast %jit3A : f32 to vector<4x1024xf32>
    %select_n3A = arith.select %and3A, %get3A_1, %broadcast_in_dim3A_44 : vector<4x1024xi1>, vector<4x1024xf32>
    %swap3A = arith.constant 0 : index
    %swap3A_45 = arith.constant 0 : index
    %swap3A_46 = vector.load %arg2[%swap3A, %swap3A_45] : memref<4x1024xf32, #tpu.memory_space<vmem>>, vector<4x1024xf32>
    tpu.vector_store %arg2[%swap3A, %swap3A_45], %select_n3A {strides = array<i32>} : memref<4x1024xf32, #tpu.memory_space<vmem>>, vector<4x1024xf32>,
    return
  }
}

</mosaic_0001>

<sc_bundles>
// kernel: gather_offload_async_start.1
scs
__scs_entry_jumppad:
0x0: {  	(pc) =	sbr.rel $0x88, $3  }
0x1: {  	(tag) =	ssettag $0x0;
	lr =	simm.s32 $0x1  }
0x2: {  	[smem:$0x3F9E] =	sst lr;
	_ =	strace $0xD0000000  }
0x3: {  	_ = 	snop  }
0x4: {  	_ = 	snop  }
0x5: {  	_ = 	snop  }
0x6: {  	_ = 	snop  }
0x7: {  	_ = 	snop  }
__scs_overlays_trampoline_lowered:
0x8: {  	[smem:$0x3FAD] =	sst s0  }
0x9: {  	[smem:$0x3FAE] =	sst s1  }
0xa: {  	[smem:$0x3FAF] =	sst s2  }
0xb: {  	[smem:$0x3FB0] =	sst s3  }
0xc: {  	[smem:$0x3FB1] =	sst s4  }
0xd: {  	[smem:$0x3FB2] =	sst s5  }
0xe: {  	[smem:$0x3FB3] =	sst s6  }
0xf: {  	[smem:$0x3FB4] =	sst s7  }
0x10: {  	[smem:$0x3FB5] =	sst s8  }
0x11: {  	[smem:$0x3FB6] =	sst s9;
	s0 =	simm.s32 @!p0 $0x0  }
0x12: {  	s1 =	sld [smem:$0x3F9C];
	s0 =	simm.s32 @p0 $0x1  }
0x13: {  	[smem:$0x3FB7] =	sst s0;
	s0 =	simm.s32 @!p1 $0x0  }
0x14: {  	s2 =	sld [smem:$0x3F9B];
	s0 =	simm.s32 @p1 $0x1  }
0x15: {  	[smem:$0x3FB8] =	sst s0;
	s0 =	simm.s32 @!p2 $0x0  }
0x16: {  	s3 =	sld [smem:$0x3FDB];
	s0 =	simm.s32 @p2 $0x1  }
0x17: {  	s4 =	simm.s32 $0x1BF5;
	[smem:$0x3FBA] =	sst s0  }
0x18: {  	s0 =	sld [smem:$0x3F9D];
	_ =	swait.ge [sflag:s4], $0x0  }
0x19: {  	s7 =	sld [smem:$0x3F9E]  }
0x1a: {  	s8 =	sadd.s32 $0xFFFFE003, lr  }
0x1b: {  	s9 =	sadd.s32 $0xFFFFFEF7, lr;
	s5 =	simm.s32 $0xFFFFFFFF;
	p2 =	slt.u32 s8, $0xFFFFF086  }
0x1c: {  	p1 =	slt.u32 s9, $0xF7A;
	s5 =	simm.s32 @!p2 $0x0  }
0x1d: {  	s5 =	simm.s32 @p1 $0x1;
	p0 =	seq.s32 s7, s2  }
0x1e: {  	s7 =	smul.u32 @!p0 $0xF7A, s2;
	p2 =	seq.s32 @!p0 s5, $0x0  }
0x1f: {  	s9 =	smul.u32 $0xF7A, s1;
	s8 =	simm.s32 @!p0 $0x1BF5;
	p2 =	por !p2, p0  }
0x20: {  	[sflag:s8] =	ssyncset.s32 @!p0 $0xFFFFF086;
	s6 =	sadd.s32 @!p0 s3, s7;
	s7 =	simm.s32 @!p0 $0x108  }
0x21: {  	s3 =	sadd.s32 s3, s9;
	s6 =	sadd.s32 @!p0 $0x88, s6;
	s7 =	simm.s32 @p2 $0x1082  }
0x22: {  	[simem:s7], [sflag:s8] =	dma.local @!p0 [hbm:s6], $0xF7A  }
0x23: {  	s9 =	sor.u32 $0xD0000000, s2;
	s6 =	simm.s32 $0x108;
	_ =	swait.ge @!p0 [sflag:s8], $0x0  }
0x24: {  	s3 =	sadd.s32 $0x88, s3;
	s6 =	simm.s32 @!p1 $0x1082;
	[sflag:s4] =	ssyncset.s32 $0xFFFFF086  }
0x25: {  	[simem:s6], [sflag:s4] =	dma.local [hbm:s3], $0xF7A  }
0x26: {  	[smem:$0x3F9E] =	sst s1;
	(tag) =	ssettag s2;
	_ =	strace s9  }
0x27: {  	s1 =	sld [smem:$0x3FAE]  }
0x28: {  	s2 =	sld [smem:$0x3FAF]  }
0x29: {  	s4 =	sld [smem:$0x3FB1]  }
0x2a: {  	p0 =	seq.s32 s5, $0x0;
	s5 =	sld [smem:$0x3FB2]  }
0x2b: {  	s6 =	sld [smem:$0x3FB3]  }
0x2c: {  	s7 =	sld [smem:$0x3FB4]  }
0x2d: {  	s3 =	simm.s32 $0x108;
	s8 =	sld [smem:$0x3FB5]  }
0x2e: {  	s3 =	simm.s32 @!p0 $0x1082;
	s9 =	sld [smem:$0x3FB6]  }
0x2f: {  	lr =	sadd.s32 s0, s3;
	s0 =	sld [smem:$0x3FAD]  }
0x30: {  	s3 =	sld [smem:$0x3FB0]  }
0x31: {  	[smem:$0x3FB9] =	sst s10  }
0x32: {  	s10 =	sld [smem:$0x3FB7];
	_ =	sdelay $0x3  }
0x33: {  	p0 =	seq.s32 s10, $0x1;
	s10 =	sld [smem:$0x3FB9];
	_ =	sdelay $0x3  }
0x34: {  	[smem:$0x3FB9] =	sst s10  }
0x35: {  	s10 =	sld [smem:$0x3FB8];
	_ =	sdelay $0x3  }
0x36: {  	p1 =	seq.s32 s10, $0x1;
	s10 =	sld [smem:$0x3FB9];
	_ =	sdelay $0x3  }
0x37: {  	[smem:$0x3FB9] =	sst s10  }
0x38: {  	s10 =	sld [smem:$0x3FBA]  }
0x39: {  	_ = 	snop;
	(pc) =	sbr.ind lr, $3  }
0x3a: {  	_ = 	snop  }
0x3b: {  	_ = 	snop  }
0x3c: {  	p2 =	seq.s32 s10, $0x1;
	s10 =	sld [smem:$0x3FB9]  }
0x3d: {  	_ =	shalt  }
0x3e: {  	_ =	shalt  }
0x3f: {  	_ =	shalt  }
0x40: {  	_ =	shalt  }
0x41: {  	_ =	shalt  }
0x42: {  	_ =	shalt  }
0x43: {  	_ =	shalt  }
0x44: {  	_ =	shalt  }
0x45: {  	_ =	shalt  }
0x46: {  	_ =	shalt  }
0x47: {  	_ =	shalt  }
0x48: {  	_ =	shalt  }
0x49: {  	_ =	shalt  }
0x4a: {  	_ =	shalt  }
0x4b: {  	_ =	shalt  }
0x4c: {  	_ =	shalt  }
0x4d: {  	_ =	shalt  }
0x4e: {  	_ =	shalt  }
0x4f: {  	_ =	shalt  }
0x50: {  	_ =	shalt  }
0x51: {  	_ =	shalt  }
0x52: {  	_ =	shalt  }
0x53: {  	_ =	shalt  }
0x54: {  	_ =	shalt  }
0x55: {  	_ =	shalt  }
0x56: {  	_ =	shalt  }
0x57: {  	_ =	shalt  }
0x58: {  	_ =	shalt  }
0x59: {  	_ =	shalt  }
0x5a: {  	_ =	shalt  }
0x5b: {  	_ =	shalt  }
0x5c: {  	_ =	shalt  }
0x5d: {  	_ =	shalt  }
0x5e: {  	_ =	shalt  }
0x5f: {  	_ =	shalt  }
0x60: {  	_ =	shalt  }
0x61: {  	_ =	shalt  }
0x62: {  	_ =	shalt  }
0x63: {  	_ =	shalt  }
0x64: {  	_ =	shalt  }
0x65: {  	_ =	shalt  }
0x66: {  	_ =	shalt  }
0x67: {  	_ =	shalt  }
0x68: {  	_ =	shalt  }
0x69: {  	_ =	shalt  }
0x6a: {  	_ =	shalt  }
0x6b: {  	_ =	shalt  }
0x6c: {  	_ =	shalt  }
0x6d: {  	_ =	shalt  }
0x6e: {  	_ =	shalt  }
0x6f: {  	_ =	shalt  }
0x70: {  	_ =	shalt  }
0x71: {  	_ =	shalt  }
0x72: {  	_ =	shalt  }
0x73: {  	_ =	shalt  }
0x74: {  	_ =	shalt  }
0x75: {  	_ =	shalt  }
0x76: {  	_ =	shalt  }
0x77: {  	_ =	shalt  }
0x78: {  	_ =	shalt  }
0x79: {  	_ =	shalt  }
0x7a: {  	_ =	shalt  }
0x7b: {  	_ =	shalt  }
0x7c: {  	_ =	shalt  }
0x7d: {  	_ =	shalt  }
0x7e: {  	_ =	shalt  }
0x7f: {  	_ =	shalt  }
0x80: {  	_ =	shalt  }
0x81: {  	_ =	shalt  }
0x82: {  	_ =	shalt  }
0x83: {  	_ =	shalt  }
0x84: {  	_ =	shalt  }
0x85: {  	_ =	shalt  }
0x86: {  	_ =	shalt  }
0x87: {  	_ =	shalt  }
.Lfunc_end0:
.L_simem_size_0:
called_computation.1_lowered:
.L_overlay_start_0:
0x88: {  	s2 =	sld [smem:$0x3FD9]  }
0x89: {  	s3 =	sld [smem:$0x3FFE];
	_ =	sdelay $0x1  }
0x8a: {  	s1 =	srdreg.scid  }
0x8b: {  	s0 =	sand.u32 $0x1, s1  }
0x8c: {  	s16 =	sshll.u32 s0, $0xA;
	s2 =	sadd.s32 s3, s2  }
0x8d: {  	s2 =	sadd.s32 s2, s16  }
0x8e: {  	[smem:$0x3FC5] =	sst s2  }
0x8f: {  	_ = 	snop  }
0x90: {  	(tm) =	ssettm $0x1  }
0x91: {  	s17 =	sld [smem:$0x3FFB];
	_ =	sdelay $0x3  }
0x92: {  	_ =	strace s17  }
0x93: {  	s2 =	sld [smem:$0x3FFC];
	_ =	sdelay $0x3  }
0x94: {  	_ =	strace s2  }
0x95: {  	s2 =	sld [smem:$0x3FFD];
	_ =	sdelay $0x3  }
0x96: {  	_ =	strace s2  }
0x97: {  	_ =	strace $0x8FFFFFFF  }
0x98: {  	s18 =	sld [smem:$0x3FDB];
	_ =	sdelay $0x1  }
0x99: {  	s19 =	simm.s32 $_scs_section_size  }
0x9a: {  	s4 =	simm.s32 $_size__tile_overlayer_lowered;
	s5 =	simm.s32 $_tile_overlayer_lowered  }
0x9b: {  	s22 =	simm.s32 $0x1BFF;
	s21 =	sshll.u32 s5, $0x1;
	s2 =	sadd.s32 s19, s18  }
0x9c: {  	s6 =	simm.s32 $0x0;
	s20 =	sshll.u32 s4, $0x1;
	s4 =	sadd.s32 s21, s2  }
0x9d: {  	[timem:s6], [sflag:s22] =	dma.local [hbm:s4], s20  }
0x9e: {  	_ =	swait.ge [sflag:s22], s20  }
0x9f: {  	s3 =	ssub.s32 $0x0, s20;
	[sflag:s22] =	ssyncset.done $0x0  }
0xa0: {  	[sflag:s22] =	ssyncadd.s32 s3;
	_ =	sdelay $0x1  }
0xa1: {  	s23 =	simm.s32 $0x1B8B  }
0xa2: {  	_ =	swait.ge [sflag:s23], $0x1  }
0xa3: {  	[sflag:s23] =	ssyncset.done $0x0  }
0xa4: {  	s25 =	simm.s32 $0x1B8E;
	s24 =	sld [smem:$0x3FFE];
	[sflag:s23] =	ssyncadd.s32 $0xFFFFFFFF  }
0xa5: {  	s26 =	simm.s32 $execute0_lowered;
	[smem:$0x3FD2] =	sst s25  }
0xa6: {  	s4 =	sshll.u32 s26, $0x1;
	_ =	strace $0x80000046;
	[dreg:$0x1] =	wrdreg $0xFFFFFFFF  }
0xa7: {  	s28 =	simm.s32 $_size_execute0_lowered;
	s2 =	sadd.s32 s2, s4;
	[dreg:$0x0] =	wrdreg $0x0  }
0xa8: {  	s4 =	sshll.u32 s28, $0x1;
	[dreg:$0x2] =	wrdreg s2  }
0xa9: {  	[dreg:$0x3] =	wrdreg s4  }
0xaa: {  	[dreg:$0x4] =	wrdreg $0xC0  }
0xab: {  	_ =	task [dreg:s6], $0x5FFFF  }
0xac: {  	[dreg:$0x1] =	wrdreg $0xFFFFFFFF  }
0xad: {  	[dreg:$0x0] =	wrdreg $0x60  }
0xae: {  	[dreg:$0x2] =	wrdreg s24  }
0xaf: {  	[dreg:$0x3] =	wrdreg $0x9  }
0xb0: {  	_ =	task.clear_ibuf [dreg:s6], $0x4FFFF;
	_ =	strace $0x90000046  }
0xb1: {  	s29 =	simm.s32 $0x9;
	_ =	strace $0x80000048  }
0xb2: {  	_ =	swait.ge [sflag:s29], $0x1  }
0xb3: {  	[sflag:s29] =	ssyncadd.s32 $0xFFFFFFFF  }
0xb4: {  	_ =	strace $0x90000048  }
0xb5: {  	_ =	sfence  }
0xb6: {  	s30 =	sld [smem:$0x0];
	_ =	sdelay $0x2  }
0xb7: {  	s31 =	sshll.u32 s1, $0xD;
	s1 =	sshrl.u32 s1, $0x2  }
0xb8: {  	s3 =	sand.u32 $0x4000, s31;
	s1 =	sadd.s32 s1, s30  }
0xb9: {  	s0 =	sor.u32 s3, s0;
	s1 =	sshll.u32 s1, $0x11  }
0xba: {  	s0 =	sor.u32 s1, s0  }
0xbb: {  	s0 =	sadd.s32 $0x8F2B, s0  }
0xbc: {  	[sflag:s0] =	ssyncadd.remote.s32 $0x1  }
0xbd: {  	_ =	sfence.sel $0xFFFF  }
0xbe: {  	[dreg:$0x0] =	wrdreg $0xFFFFFFFF;
	(pc) =	sbr.abs _section_cstart, $3  }
0xbf: {  	[dreg:$0x1] =	wrdreg $0xFFFFFFFF  }
0xc0: {  	_ =	task.clear_ibuf [dreg:s6], $0x2FFFF;
	_ =	strace $0x9FFFFFFF  }
0xc1: {  	(tm) =	ssettm $0x7FFFFFFF  }
tec
execute0_lowered:
.L_overlay_start_1:
0x0: {  	(tag) =	ssettag $0x1  }
0x1: {  	s0 =	stileid.u32  }
0x2: {  	s1 =	srdreg.scid;
	s2 =	rddreg [dreg:$0x0]  }
0x3: {  	s5 =	simm.s32 $0x1;
	s8 =	simm.s32 $0x1;
	s9 =	simm.s32 $0x3  }
0x4: {  	s10 =	simm.s32 $0x0;
	s3 =	sand.u32 $0x1, s1;
	s4 =	sshll.u32 s0, $0x1  }
0x5: {  	s13 =	simm.s32 $0x0;
	s12 =	simm.s32 $0x0;
	s6 =	sor.u32 s4, s3  }
0x6: {  	s1 =	rddreg [dreg:$0x1];
	_ =	strace $0x80000047;
	s4 =	smul.u32 $0x50, s6  }
0x7: {  	s3 =	sadd.s32 $0x200, s2;
	p0 =	slt.u32 s6, $0x13;
	s6 =	simm.s32 $0xA00  }
.Ltmp0:
0x8: {  	s6 =	simm.s32 @!p0 $0x0;
	s7 =	ssub.s32 $0xFA0, s4;
	(pc) =	sbr.rel .LBB2_1-.Ltmp0, $4  }
0x9: {  	s8 =	simm.s32 @!p0 $0x0;
	p0 =	sne.s32 s7, s6;
	s7 =	simm.s32 $0x1  }
0xa: {  	[sflag:s5] =	ssyncpa.u1 $0x0;
	s6 =	simm.s32 $0x2;
	s7 =	simm.s32 @!p0 $0x0  }
0xb: {  	s11 =	smov.u32 s4;
	[sflag:s6] =	ssyncpa.u1 $0x0;
	s7 =	sadd.s32 s8, s7  }
0xc: {  	vm0 =	vmmov $0xffff;
	s8 =	sadd.s32 $0x13B200, s2;
	[sflag:s9] =	ssyncpa.u1 $0x0;
	s9 =	sadd.s32 $0x1, s7  }
.LBB2_4:
0xd: {  	vm1 =	veq.s32 v4, $0x80000000;
	v56 =	vand.u32 $0x3, v4;
	v6 =	vand.u32 $0x7FFF, v6  }
0xe: {  	v2 =	vor.u32 v2, v5;
	v59 =	vshrl.u32 v1, $0x2;
	v60 =	vand.u32 $0x3, v1  }
0xf: {  	v4 =	vsel vm1, $0xFFFFFFFF, v56;
	v6 =	vsel vm1, $0xFFFFFFFF, v6;
	v2 =	vor.u32 v3, v2  }
0x10: {  	vm1 =	veq.s32 v1, $0x80000000;
	v5 =	vand.u32 $0x7FFF, v59;
	v7 =	vshrl.u32 v4, $0x2  }
0x11: {  	v57 =	vshll.u32 v6, $0x2;
	v4 =	vshll.u32 v4, $0x7;
	v1 =	vsel vm1, $0xFFFFFFFF, v60  }
0x12: {  	v5 =	vsel vm1, $0xFFFFFFFF, v5;
	v6 =	vand.u32 $0x7F, v6;
	v7 =	vmul.u32 $0x13A00, v7  }
0x13: {  	v58 =	vand.u32 $0xFFFFFE00, v57;
	v4 =	vand.u32 $0x180, v4;
	v61 =	vshrl.u32 v1, $0x2  }
0x14: {  	v62 =	vshll.u32 v5, $0x2;
	v3 =	vadd.s32 v7, v58;
	v7 =	vmul.u32 $0x13A00, v61  }
0x15: {  	v1 =	vshll.u32 v1, $0x7;
	v3 =	vor.u32 v4, v3;
	v4 =	vand.u32 $0xFFFFFE00, v62  }
0x16: {  	v1 =	vand.u32 $0x180, v1;
	v3 =	vor.u32 v6, v3;
	v4 =	vadd.s32 v7, v4  }
0x17: {  	[tilespmem:s16], [sflag:$0x1] =	stream.indirect_vreg.gather [hbm4b:s3+s10], $0x1, v0, vm0, $0x4038;
	v63 =	vand.u32 $0x7F, v5;
	v1 =	vor.u32 v1, v4;
	[tilespmem:$0x140] =	vst v63  }
0x18: {  	s15 =	sadd.s32 $0x10, s15;
	(ifvalue) =	ssetifvalue $0x7FFFFFFF;
	v0 =	vor.u32 v63, v1  }
0x19: {  	[tilespmem:s15], [sflag:$0x1] =	stream.indirect_vreg.gather [hbm4b:s3+s10], $0x1, v2, vm0, $0x4038;
	[tilespmem:$0x140] =	vst v63  }
0x1a: {  	s15 =	sadd.s32 $0x10, s15;
	(ifvalue) =	ssetifvalue $0x7FFFFFFF  }
0x1b: {  	[tilespmem:s15], [sflag:$0x1] =	stream.indirect_vreg.gather [hbm4b:s3+s10], $0x1, v3, vm0, $0x4038;
	[tilespmem:$0x140] =	vst v63  }
0x1c: {  	s15 =	sadd.s32 $0x10, s15;
	(ifvalue) =	ssetifvalue $0x7FFFFFFF  }
0x1d: {  	[tilespmem:s15], [sflag:$0x1] =	stream.indirect_vreg.gather [hbm4b:s3+s10], $0x1, v0, vm0, $0x4038;
	[tilespmem:$0x140] =	vst v63  }
0x1e: {  	_ =	swait.ge [sflag:s5], $0x50  }
0x1f: {  	s30 =	sshrl.u32 s13, $0x3;
	[sflag:s5] =	ssyncset.done $0x0  }
0x20: {  	s31 =	sand.u32 $0x7, s13;
	s15 =	sadd.s32 s8, s30;
	[sflag:s5] =	ssyncadd.s32 $0xFFFFFFB0  }
0x21: {  	[hbm4b:s15+s31] =	stream.linear.scatter [tilespmem:s14], [sflag:$0x3], $0x50, $0x38;
	[tilespmem:$0x140] =	vst v63  }
.LBB2_5:
0x22: {  	s15 =	sadd.s32 $0xA00, s11  }
0x23: {  	p1 =	sgt.s32 s15, $0xF9F  }
0x24: {  	s15 =	smov.u32 @p1 s4;
	p1 =	sne.s32 s12, s9  }
.Ltmp1:
0x25: {  	p0 =	slt.u32 s12, $0x2;
	(pc) =	sbr.rel @!p1 .LBB2_6-.Ltmp1, $4  }
0x26: {  	s14 =	simm.s32 @!p0 $0x3  }
0x27: {  	_ =	swait.ge @!p0 [sflag:s14], $0x50  }
0x28: {  	s16 =	sadd.s32 $0x1, s12;
	s13 =	smov.u32 s11;
	[sflag:s14] =	ssyncset.done @!p0 $0x0  }
0x29: {  	s12 =	smov.u32 s16;
	s11 =	smov.u32 s15;
	[sflag:s14] =	ssyncadd.s32 @!p0 $0xFFFFFFB0  }
.LBB2_1:
0x2a: {  	p0 =	sge.u32 s12, s7  }
0x2b: {  	s14 =	sxor.u32 @!p0 $0x1, s12  }
0x2c: {  	s14 =	smul.u32 @!p0 $0x140, s14  }
0x2d: {  	s31 =	sadd.s32 $0xFFFFFFFF, s12;
	s15 =	sshrl.u32 @!p0 s11, $0x3  }
0x2e: {  	s16 =	sand.u32 @!p0 $0x7, s11;
	s15 =	sadd.s32 @!p0 s2, s15;
	s14 =	sshra.s32 @!p0 s14, $0x2  }
0x2f: {  	[tilespmem:s14], [sflag:$0x2] =	stream.linear.gather @!p0 [hbm4b:s15+s16], $0x50, $0x38;
	[tilespmem:$0x140] =	vst v63  }
0x30: {  	p0 =	sge.u32 s31, s7  }
.Ltmp2:
0x31: {  	_ = 	snop;
	(pc) =	sbr.rel @p0 .LBB2_5-.Ltmp2, $1  }
0x32: {  	_ =	sdelay $0x3  }
0x33: {  	s14 =	sand.u32 $0x1, s12  }
0x34: {  	_ =	swait.ge [sflag:s6], $0x50;
	p0 =	seq.s32 s14, $0x1;
	s14 =	simm.s32 $0x50  }
0x35: {  	[sflag:s6] =	ssyncset.done $0x0;
	s14 =	simm.s32 @!p0 $0x0  }
0x36: {  	[sflag:s6] =	ssyncadd.s32 $0xFFFFFFB0;
	(ifvalue) =	ssetifvalue $0x7FFFFFFF;
	v0 =	vld.msk [tilespmem:s14+$0x0 ss:$0x1], $0xffff  }
0x37: {  	s15 =	sadd.s32 $0x10, s14  }
0x38: {  	v1 =	vld.msk [tilespmem:s15+$0x0 ss:$0x1], $0xffff;
	_ =	sdelay $0x2  }
0x39: {  	v2 =	vshrl.u32 v0, $0x2  }
0x3a: {  	vm1 =	veq.s32 v0, $0x80000000;
	v0 =	vand.u32 $0x3, v0;
	v2 =	vand.u32 $0x7FFF, v2  }
0x3b: {  	v0 =	vsel vm1, $0xFFFFFFFF, v0;
	v6 =	vshrl.u32 v1, $0x2;
	v2 =	vsel vm1, $0xFFFFFFFF, v2  }
0x3c: {  	v3 =	vshrl.u32 v0, $0x2;
	v0 =	vshll.u32 v0, $0x7;
	vm1 =	veq.s32 v1, $0x80000000  }
0x3d: {  	s15 =	sadd.s32 $0x10, s15;
	v1 =	vand.u32 $0x3, v1;
	v4 =	vshll.u32 v2, $0x2;
	v3 =	vmul.u32 $0x13A00, v3  }
0x3e: {  	v0 =	vand.u32 $0x180, v0;
	v7 =	vand.u32 $0x7F, v2;
	v5 =	vand.u32 $0xFFFFFE00, v4;
	v4 =	vld.msk [tilespmem:s15+$0x0 ss:$0x1], $0xffff  }
0x3f: {  	v1 =	vsel vm1, $0xFFFFFFFF, v1;
	v2 =	vadd.s32 v3, v5;
	v3 =	vand.u32 $0x7FFF, v6  }
0x40: {  	v3 =	vsel vm1, $0xFFFFFFFF, v3;
	v0 =	vor.u32 v0, v2;
	v2 =	vshrl.u32 v1, $0x2  }
0x41: {  	v1 =	vshll.u32 v1, $0x7;
	v5 =	vshll.u32 v3, $0x2;
	v8 =	vmul.u32 $0x13A00, v2  }
0x42: {  	s18 =	simm.s32 $0x30;
	s14 =	sor.u32 $0xA0, s14;
	s17 =	sadd.s32 $0x10, s15;
	v2 =	vand.u32 $0x180, v1;
	v0 =	vor.u32 v7, v0;
	v5 =	vand.u32 $0xFFFFFE00, v5  }
0x43: {  	s16 =	smov.u32 s14;
	s15 =	smov.u32 s14;
	v1 =	vld.msk [tilespmem:s17+$0x0 ss:$0x1], $0xffff;
	v3 =	vand.u32 $0x7F, v3;
	(ifvalue) =	ssetifvalue $0x7FFFFFFF;
	v6 =	vshrl.u32 v4, $0x2;
	v5 =	vadd.s32 v8, v5  }
.LBB2_3:
0x44: {  	s18 =	sadd.s32 $0x10, s18  }
0x45: {  	vm1 =	veq.s32 v4, $0x80000000;
	v4 =	vand.u32 $0x3, v4;
	v6 =	vand.u32 $0x7FFF, v6;
	s15 =	sadd.s32 $0x10, s15;
	p0 =	slt.u32 s18, $0x40  }
.Ltmp3:
0x46: {  	v5 =	vor.u32 v2, v5;
	v4 =	vsel vm1, $0xFFFFFFFF, v4;
	v7 =	vsel vm1, $0xFFFFFFFF, v6;
	(pc) =	sbr.rel @p0 .LBB2_3-.Ltmp3, $4  }
0x47: {  	v2 =	vshrl.u32 v4, $0x2;
	v6 =	vshll.u32 v7, $0x2;
	v4 =	vshll.u32 v4, $0x7;
	[tilespmem:s16], [sflag:$0x1] =	stream.indirect_vreg.gather [hbm4b:s3+s10], $0x1, v0, vm0, $0x4038;
	[tilespmem:$0x140] =	vst v63  }
0x48: {  	v0 =	vor.u32 v3, v5;
	s16 =	smov.u32 s15;
	v8 =	vmul.u32 $0x13A00, v2;
	v2 =	vand.u32 $0x180, v4  }
0x49: {  	s17 =	sadd.s32 $0x10, s17;
	v9 =	vand.u32 $0xFFFFFE00, v6  }
0x4a: {  	v3 =	vand.u32 $0x7F, v7;
	v6 =	vshrl.u32 v1, $0x2;
	v5 =	vadd.s32 v8, v9;
	(ifvalue) =	ssetifvalue $0x7FFFFFFF;
	v4 =	vmovc v1;
	v1 =	vld.msk [tilespmem:s17+$0x0 ss:$0x1], $0xffff  }
.Ltmp4:
0x4b: {  	_ = 	snop;
	(pc) =	sbr.rel .LBB2_4-.Ltmp4, $1  }
0x4c: {  	_ =	sdelay $0x3  }
.LBB2_6:
0x4d: {  	_ =	sfence.sel $0x180000  }
0x4e: {  	s2 =	simm.s32 $0x2;
	[bflag:$0x0] =	sbarrier.arrive $0xFFFF  }
0x4f: {  	s30 =	simm.s32 $0x3;
	[sflag:s2] =	ssyncpa.u1 $0x1  }
0x50: {  	s31 =	simm.s32 $0x1;
	[sflag:s30] =	ssyncpa.u1 $0x1  }
0x51: {  	[sflag:s31] =	ssyncpa.u1 $0x1  }
0x52: {  	p0 =	sne.s32 s0, $0x0;
	_ =	strace $0x90000047  }
0x53: {  	s0 =	sadd.s32 @!p0 $0x100000, s1;
	[bflag:$0x2] =	sbarrier.arrive $0xFFFF  }
0x54: {  	[sflag:s0] =	ssyncadd.tile.s32 @!p0 $0x1;
	_ =	shalt  }
.Lfunc_end2:
_tile_overlayer_lowered:
.L_overlay_start_2:
0x55: {  	(tag) =	ssettag $0x2  }
0x56: {  	s0 =	rddreg [dreg:$0x0];
	s2 =	stileid.u32  }
0x57: {  	s1 =	rddreg [dreg:$0x1];
	p0 =	sne.s32 s2, $0x0  }
0x58: {  	s3 =	rddreg [dreg:$0x2];
	[bflag:$0x3] =	sbarrier.arrive $0xFFFF;
	s2 =	simm.s32 @!p0 $0x1C01  }
0x59: {  	[timem:s3], [sflag:s2] =	dma.local @!p0 [hbm:s0], s1  }
0x5a: {  	s0 =	simm.s32 @!p0 $0x1  }
0x5b: {  	_ =	swait.ge @!p0 [sflag:s0], s1  }
0x5c: {  	s1 =	ssub.s32 @!p0 $0x0, s1;
	[sflag:s0] =	ssyncset.done @!p0 $0x0  }
0x5d: {  	[sflag:s0] =	ssyncadd.s32 @!p0 s1  }
0x5e: {  	[bflag:$0x3] =	sbarrier.arrive $0xFFFF  }
0x5f: {  	_ =	shalt  }

// kernel: gather_offload_async_start
scs
__scs_entry_jumppad:
0x0: {  	(pc) =	sbr.rel $0x88, $3  }
0x1: {  	(tag) =	ssettag $0x0;
	lr =	simm.s32 $0x1  }
0x2: {  	[smem:$0x3F9E] =	sst lr;
	_ =	strace $0xD0000000  }
0x3: {  	_ = 	snop  }
0x4: {  	_ = 	snop  }
0x5: {  	_ = 	snop  }
0x6: {  	_ = 	snop  }
0x7: {  	_ = 	snop  }
__scs_overlays_trampoline_lowered:
0x8: {  	[smem:$0x3FAD] =	sst s0  }
0x9: {  	[smem:$0x3FAE] =	sst s1  }
0xa: {  	[smem:$0x3FAF] =	sst s2  }
0xb: {  	[smem:$0x3FB0] =	sst s3  }
0xc: {  	[smem:$0x3FB1] =	sst s4  }
0xd: {  	[smem:$0x3FB2] =	sst s5  }
0xe: {  	[smem:$0x3FB3] =	sst s6  }
0xf: {  	[smem:$0x3FB4] =	sst s7  }
0x10: {  	[smem:$0x3FB5] =	sst s8  }
0x11: {  	[smem:$0x3FB6] =	sst s9;
	s0 =	simm.s32 @!p0 $0x0  }
0x12: {  	s1 =	sld [smem:$0x3F9C];
	s0 =	simm.s32 @p0 $0x1  }
0x13: {  	[smem:$0x3FB7] =	sst s0;
	s0 =	simm.s32 @!p1 $0x0  }
0x14: {  	s2 =	sld [smem:$0x3F9B];
	s0 =	simm.s32 @p1 $0x1  }
0x15: {  	[smem:$0x3FB8] =	sst s0;
	s0 =	simm.s32 @!p2 $0x0  }
0x16: {  	s3 =	sld [smem:$0x3FDB];
	s0 =	simm.s32 @p2 $0x1  }
0x17: {  	s4 =	simm.s32 $0x1BF5;
	[smem:$0x3FBA] =	sst s0  }
0x18: {  	s0 =	sld [smem:$0x3F9D];
	_ =	swait.ge [sflag:s4], $0x0  }
0x19: {  	s7 =	sld [smem:$0x3F9E]  }
0x1a: {  	s8 =	sadd.s32 $0xFFFFE003, lr  }
0x1b: {  	s9 =	sadd.s32 $0xFFFFFEF7, lr;
	s5 =	simm.s32 $0xFFFFFFFF;
	p2 =	slt.u32 s8, $0xFFFFF086  }
0x1c: {  	p1 =	slt.u32 s9, $0xF7A;
	s5 =	simm.s32 @!p2 $0x0  }
0x1d: {  	s5 =	simm.s32 @p1 $0x1;
	p0 =	seq.s32 s7, s2  }
0x1e: {  	s7 =	smul.u32 @!p0 $0xF7A, s2;
	p2 =	seq.s32 @!p0 s5, $0x0  }
0x1f: {  	s9 =	smul.u32 $0xF7A, s1;
	s8 =	simm.s32 @!p0 $0x1BF5;
	p2 =	por !p2, p0  }
0x20: {  	[sflag:s8] =	ssyncset.s32 @!p0 $0xFFFFF086;
	s6 =	sadd.s32 @!p0 s3, s7;
	s7 =	simm.s32 @!p0 $0x108  }
0x21: {  	s3 =	sadd.s32 s3, s9;
	s6 =	sadd.s32 @!p0 $0x88, s6;
	s7 =	simm.s32 @p2 $0x1082  }
0x22: {  	[simem:s7], [sflag:s8] =	dma.local @!p0 [hbm:s6], $0xF7A  }
0x23: {  	s9 =	sor.u32 $0xD0000000, s2;
	s6 =	simm.s32 $0x108;
	_ =	swait.ge @!p0 [sflag:s8], $0x0  }
0x24: {  	s3 =	sadd.s32 $0x88, s3;
	s6 =	simm.s32 @!p1 $0x1082;
	[sflag:s4] =	ssyncset.s32 $0xFFFFF086  }
0x25: {  	[simem:s6], [sflag:s4] =	dma.local [hbm:s3], $0xF7A  }
0x26: {  	[smem:$0x3F9E] =	sst s1;
	(tag) =	ssettag s2;
	_ =	strace s9  }
0x27: {  	s1 =	sld [smem:$0x3FAE]  }
0x28: {  	s2 =	sld [smem:$0x3FAF]  }
0x29: {  	s4 =	sld [smem:$0x3FB1]  }
0x2a: {  	p0 =	seq.s32 s5, $0x0;
	s5 =	sld [smem:$0x3FB2]  }
0x2b: {  	s6 =	sld [smem:$0x3FB3]  }
0x2c: {  	s7 =	sld [smem:$0x3FB4]  }
0x2d: {  	s3 =	simm.s32 $0x108;
	s8 =	sld [smem:$0x3FB5]  }
0x2e: {  	s3 =	simm.s32 @!p0 $0x1082;
	s9 =	sld [smem:$0x3FB6]  }
0x2f: {  	lr =	sadd.s32 s0, s3;
	s0 =	sld [smem:$0x3FAD]  }
0x30: {  	s3 =	sld [smem:$0x3FB0]  }
0x31: {  	[smem:$0x3FB9] =	sst s10  }
0x32: {  	s10 =	sld [smem:$0x3FB7];
	_ =	sdelay $0x3  }
0x33: {  	p0 =	seq.s32 s10, $0x1;
	s10 =	sld [smem:$0x3FB9];
	_ =	sdelay $0x3  }
0x34: {  	[smem:$0x3FB9] =	sst s10  }
0x35: {  	s10 =	sld [smem:$0x3FB8];
	_ =	sdelay $0x3  }
0x36: {  	p1 =	seq.s32 s10, $0x1;
	s10 =	sld [smem:$0x3FB9];
	_ =	sdelay $0x3  }
0x37: {  	[smem:$0x3FB9] =	sst s10  }
0x38: {  	s10 =	sld [smem:$0x3FBA]  }
0x39: {  	_ = 	snop;
	(pc) =	sbr.ind lr, $3  }
0x3a: {  	_ = 	snop  }
0x3b: {  	_ = 	snop  }
0x3c: {  	p2 =	seq.s32 s10, $0x1;
	s10 =	sld [smem:$0x3FB9]  }
0x3d: {  	_ =	shalt  }
0x3e: {  	_ =	shalt  }
0x3f: {  	_ =	shalt  }
0x40: {  	_ =	shalt  }
0x41: {  	_ =	shalt  }
0x42: {  	_ =	shalt  }
0x43: {  	_ =	shalt  }
0x44: {  	_ =	shalt  }
0x45: {  	_ =	shalt  }
0x46: {  	_ =	shalt  }
0x47: {  	_ =	shalt  }
0x48: {  	_ =	shalt  }
0x49: {  	_ =	shalt  }
0x4a: {  	_ =	shalt  }
0x4b: {  	_ =	shalt  }
0x4c: {  	_ =	shalt  }
0x4d: {  	_ =	shalt  }
0x4e: {  	_ =	shalt  }
0x4f: {  	_ =	shalt  }
0x50: {  	_ =	shalt  }
0x51: {  	_ =	shalt  }
0x52: {  	_ =	shalt  }
0x53: {  	_ =	shalt  }
0x54: {  	_ =	shalt  }
0x55: {  	_ =	shalt  }
0x56: {  	_ =	shalt  }
0x57: {  	_ =	shalt  }
0x58: {  	_ =	shalt  }
0x59: {  	_ =	shalt  }
0x5a: {  	_ =	shalt  }
0x5b: {  	_ =	shalt  }
0x5c: {  	_ =	shalt  }
0x5d: {  	_ =	shalt  }
0x5e: {  	_ =	shalt  }
0x5f: {  	_ =	shalt  }
0x60: {  	_ =	shalt  }
0x61: {  	_ =	shalt  }
0x62: {  	_ =	shalt  }
0x63: {  	_ =	shalt  }
0x64: {  	_ =	shalt  }
0x65: {  	_ =	shalt  }
0x66: {  	_ =	shalt  }
0x67: {  	_ =	shalt  }
0x68: {  	_ =	shalt  }
0x69: {  	_ =	shalt  }
0x6a: {  	_ =	shalt  }
0x6b: {  	_ =	shalt  }
0x6c: {  	_ =	shalt  }
0x6d: {  	_ =	shalt  }
0x6e: {  	_ =	shalt  }
0x6f: {  	_ =	shalt  }
0x70: {  	_ =	shalt  }
0x71: {  	_ =	shalt  }
0x72: {  	_ =	shalt  }
0x73: {  	_ =	shalt  }
0x74: {  	_ =	shalt  }
0x75: {  	_ =	shalt  }
0x76: {  	_ =	shalt  }
0x77: {  	_ =	shalt  }
0x78: {  	_ =	shalt  }
0x79: {  	_ =	shalt  }
0x7a: {  	_ =	shalt  }
0x7b: {  	_ =	shalt  }
0x7c: {  	_ =	shalt  }
0x7d: {  	_ =	shalt  }
0x7e: {  	_ =	shalt  }
0x7f: {  	_ =	shalt  }
0x80: {  	_ =	shalt  }
0x81: {  	_ =	shalt  }
0x82: {  	_ =	shalt  }
0x83: {  	_ =	shalt  }
0x84: {  	_ =	shalt  }
0x85: {  	_ =	shalt  }
0x86: {  	_ =	shalt  }
0x87: {  	_ =	shalt  }
.Lfunc_end0:
.L_simem_size_0:
called_computation_lowered:
.L_overlay_start_0:
0x88: {  	s2 =	sld [smem:$0x3FD9]  }
0x89: {  	s3 =	sld [smem:$0x3FFE];
	_ =	sdelay $0x1  }
0x8a: {  	s1 =	srdreg.scid  }
0x8b: {  	s0 =	sand.u32 $0x1, s1  }
0x8c: {  	s16 =	sshll.u32 s0, $0xA;
	s2 =	sadd.s32 s3, s2  }
0x8d: {  	s2 =	sadd.s32 s2, s16  }
0x8e: {  	[smem:$0x3FC5] =	sst s2  }
0x8f: {  	_ = 	snop  }
0x90: {  	(tm) =	ssettm $0x1  }
0x91: {  	s17 =	sld [smem:$0x3FFB];
	_ =	sdelay $0x3  }
0x92: {  	_ =	strace s17  }
0x93: {  	s2 =	sld [smem:$0x3FFC];
	_ =	sdelay $0x3  }
0x94: {  	_ =	strace s2  }
0x95: {  	s2 =	sld [smem:$0x3FFD];
	_ =	sdelay $0x3  }
0x96: {  	_ =	strace s2  }
0x97: {  	_ =	strace $0x8FFFFFFF  }
0x98: {  	s18 =	sld [smem:$0x3FDB];
	_ =	sdelay $0x1  }
0x99: {  	s19 =	simm.s32 $_scs_section_size  }
0x9a: {  	s4 =	simm.s32 $_size__tile_overlayer_lowered;
	s5 =	simm.s32 $_tile_overlayer_lowered  }
0x9b: {  	s22 =	simm.s32 $0x1BFF;
	s21 =	sshll.u32 s5, $0x1;
	s2 =	sadd.s32 s19, s18  }
0x9c: {  	s6 =	simm.s32 $0x0;
	s20 =	sshll.u32 s4, $0x1;
	s4 =	sadd.s32 s21, s2  }
0x9d: {  	[timem:s6], [sflag:s22] =	dma.local [hbm:s4], s20  }
0x9e: {  	_ =	swait.ge [sflag:s22], s20  }
0x9f: {  	s3 =	ssub.s32 $0x0, s20;
	[sflag:s22] =	ssyncset.done $0x0  }
0xa0: {  	[sflag:s22] =	ssyncadd.s32 s3;
	_ =	sdelay $0x1  }
0xa1: {  	s23 =	simm.s32 $0x1B8B  }
0xa2: {  	_ =	swait.ge [sflag:s23], $0x1  }
0xa3: {  	[sflag:s23] =	ssyncset.done $0x0  }
0xa4: {  	s25 =	simm.s32 $0x1B8E;
	s24 =	sld [smem:$0x3FFE];
	[sflag:s23] =	ssyncadd.s32 $0xFFFFFFFF  }
0xa5: {  	s26 =	simm.s32 $execute0_lowered;
	[smem:$0x3FD2] =	sst s25  }
0xa6: {  	s4 =	sshll.u32 s26, $0x1;
	_ =	strace $0x80000049;
	[dreg:$0x1] =	wrdreg $0xFFFFFFFF  }
0xa7: {  	s28 =	simm.s32 $_size_execute0_lowered;
	s2 =	sadd.s32 s2, s4;
	[dreg:$0x0] =	wrdreg $0x0  }
0xa8: {  	s4 =	sshll.u32 s28, $0x1;
	[dreg:$0x2] =	wrdreg s2  }
0xa9: {  	[dreg:$0x3] =	wrdreg s4  }
0xaa: {  	[dreg:$0x4] =	wrdreg $0xC0  }
0xab: {  	_ =	task [dreg:s6], $0x5FFFF  }
0xac: {  	[dreg:$0x1] =	wrdreg $0xFFFFFFFF  }
0xad: {  	[dreg:$0x0] =	wrdreg $0x60  }
0xae: {  	[dreg:$0x2] =	wrdreg s24  }
0xaf: {  	[dreg:$0x3] =	wrdreg $0x9  }
0xb0: {  	_ =	task.clear_ibuf [dreg:s6], $0x4FFFF;
	_ =	strace $0x90000049  }
0xb1: {  	s29 =	simm.s32 $0x9;
	_ =	strace $0x8000004B  }
0xb2: {  	_ =	swait.ge [sflag:s29], $0x1  }
0xb3: {  	[sflag:s29] =	ssyncadd.s32 $0xFFFFFFFF  }
0xb4: {  	_ =	strace $0x9000004B  }
0xb5: {  	_ =	sfence  }
0xb6: {  	s30 =	sld [smem:$0x0];
	_ =	sdelay $0x2  }
0xb7: {  	s31 =	sshll.u32 s1, $0xD;
	s1 =	sshrl.u32 s1, $0x2  }
0xb8: {  	s3 =	sand.u32 $0x4000, s31;
	s1 =	sadd.s32 s1, s30  }
0xb9: {  	s0 =	sor.u32 s3, s0;
	s1 =	sshll.u32 s1, $0x11  }
0xba: {  	s0 =	sor.u32 s1, s0  }
0xbb: {  	s0 =	sadd.s32 $0x8F2B, s0  }
0xbc: {  	[sflag:s0] =	ssyncadd.remote.s32 $0x1  }
0xbd: {  	_ =	sfence.sel $0xFFFF  }
0xbe: {  	[dreg:$0x0] =	wrdreg $0xFFFFFFFF;
	(pc) =	sbr.abs _section_cstart, $3  }
0xbf: {  	[dreg:$0x1] =	wrdreg $0xFFFFFFFF  }
0xc0: {  	_ =	task.clear_ibuf [dreg:s6], $0x2FFFF;
	_ =	strace $0x9FFFFFFF  }
0xc1: {  	(tm) =	ssettm $0x7FFFFFFF  }
tec
execute0_lowered:
.L_overlay_start_1:
0x0: {  	(tag) =	ssettag $0x1  }
0x1: {  	s0 =	srdreg.scid  }
0x2: {  	s1 =	sshll.u32 s0, $0x4  }
0x3: {  	s0 =	stileid.u32;
	s1 =	sand.u32 $0x10, s1  }
0x4: {  	s1 =	sor.u32 s0, s1  }
0x5: {  	s2 =	smin.u32 s1, $0x12  }
0x6: {  	s2 =	sadd.s32 s1, s2  }
0x7: {  	p0 =	slt.u32 s1, $0x12;
	s1 =	simm.s32 $0xA0;
	s2 =	smul.u32 $0x50, s2  }
0x8: {  	s1 =	simm.s32 @!p0 $0x50  }
0x9: {  	s1 =	sadd.s32 s1, s2  }
0xa: {  	s3 =	smin.u32 s1, $0xFA0  }
0xb: {  	s7 =	ssub.s32 s3, s2  }
0xc: {  	p0 =	sgt.s32 s7, $0x0  }
0xd: {  	s7 =	simm.s32 @!p0 $0x0  }
0xe: {  	s31 =	smul.u32 $0xCCCD, s7  }
0xf: {  	s4 =	rddreg [dreg:$0x0];
	s6 =	simm.s32 $0x1  }
0x10: {  	s10 =	simm.s32 $0x3;
	s13 =	simm.s32 $0x0;
	s8 =	sshrl.u32 s31, $0x16  }
0x11: {  	s12 =	simm.s32 $0x0;
	s5 =	sadd.s32 $0x2A00, s4;
	s9 =	smul.u32 $0x50, s8  }
.Ltmp0:
0x12: {  	s11 =	smov.u32 s2;
	s1 =	rddreg [dreg:$0x1];
	(pc) =	sbr.rel .LBB2_1-.Ltmp0, $4  }
0x13: {  	_ =	strace $0x8000004A;
	p0 =	sne.s32 s7, s9;
	s9 =	simm.s32 $0x1  }
0x14: {  	[sflag:s6] =	ssyncpa.u1 $0x0;
	s7 =	simm.s32 $0x2;
	s9 =	simm.s32 @!p0 $0x0  }
0x15: {  	[sflag:s7] =	ssyncpa.u1 $0x0;
	p0 =	por $0x0, $0x0;
	s8 =	sadd.s32 s8, s9  }
0x16: {  	vm0 =	vmmov $0xff;
	vm1 =	vcmask $0x3F20;
	s9 =	sadd.s32 $0x13B200, s4;
	[sflag:s10] =	ssyncpa.u1 $0x0;
	s10 =	sadd.s32 $0x1, s8  }
.LBB2_6:
0x17: {  	[hbm:s17] =	stream.linear.scatter [tilespmem:s14], [sflag:$0x3], $0x400, $0x38;
	[tilespmem:$0x50A0] =	vst v63  }
.LBB2_7:
0x18: {  	s13 =	sadd.s32 $0x50, s11  }
0x19: {  	s15 =	smov.u32 s2;
	p2 =	slt.s32 s13, s3  }
0x1a: {  	s15 =	smov.u32 @p2 s13;
	p2 =	sne.s32 s12, s10  }
.Ltmp1:
0x1b: {  	p1 =	slt.u32 s12, $0x2;
	(pc) =	sbr.rel @!p2 .LBB2_8-.Ltmp1, $4  }
0x1c: {  	s14 =	simm.s32 @!p1 $0x3  }
0x1d: {  	s16 =	sadd.s32 $0x1, s12;
	_ =	swait.ge @!p1 [sflag:s14], $0x2800  }
0x1e: {  	p0 =	por !p0, !p0;
	s13 =	smov.u32 s11;
	[sflag:s14] =	ssyncset.done @!p1 $0x0  }
0x1f: {  	s12 =	smov.u32 s16;
	s11 =	smov.u32 s15;
	[sflag:s14] =	ssyncadd.s32 @!p1 $0xFFFFD800  }
.LBB2_1:
0x20: {  	p1 =	sge.u32 s12, s8  }
0x21: {  	s14 =	sxor.u32 @!p1 $0xFFFFFFFF, s12  }
0x22: {  	s14 =	sand.u32 @!p1 $0x1, s14  }
0x23: {  	s14 =	smul.u32 @!p1 $0x140, s14  }
0x24: {  	s31 =	sadd.s32 $0xFFFFFFFF, s12;
	s15 =	sshrl.u32 @!p1 s11, $0x3  }
0x25: {  	s16 =	sand.u32 @!p1 $0x7, s11;
	s15 =	sadd.s32 @!p1 s4, s15;
	s14 =	sshrl.u32 @!p1 s14, $0x2  }
0x26: {  	[tilespmem:s14], [sflag:$0x2] =	stream.linear.gather @!p1 [hbm4b:s15+s16], $0x50, $0x38;
	[tilespmem:$0x50A0] =	vst v63  }
0x27: {  	p1 =	sge.u32 s31, s8  }
.Ltmp2:
0x28: {  	_ = 	snop;
	(pc) =	sbr.rel @p1 .LBB2_7-.Ltmp2, $1  }
0x29: {  	_ =	sdelay $0x3  }
0x2a: {  	s14 =	simm.s32 $0x1  }
0x2b: {  	s14 =	simm.s32 @!p0 $0x0  }
0x2c: {  	s15 =	smul.u32 $0x140, s14  }
0x2d: {  	_ =	swait.ge [sflag:s7], $0x50  }
0x2e: {  	[sflag:s7] =	ssyncset.done $0x0;
	s16 =	sshrl.u32 s15, $0x2  }
0x2f: {  	[sflag:s7] =	ssyncadd.s32 $0xFFFFFFB0;
	s15 =	sadd.s32 $0x0, s16  }
0x30: {  	v0 =	vld.msk [tilespmem:s15+$0x0 ss:$0x1], $0xffff;
	_ =	sdelay $0x4  }
0x31: {  	v1 =	vand.u32 $0x3, v0;
	v2 =	vshll.u32 v0, $0x5  }
0x32: {  	vm2 =	veq.s32 v0, $0x80000000;
	v0 =	vmul.u32 $0x271000, v1;
	v1 =	vand.u32 $0x3FFF80, v2  }
0x33: {  	v1 =	vsel vm2, $0xFFFFFF80, v1  }
0x34: {  	v0 =	vsel vm2, $0xFFD8F000, v0;
	v2 =	vand.u32 $0xFFFFFC00, v1  }
0x35: {  	v1 =	vand.u32 $0x380, v1;
	v0 =	vadd.s32 v0, v2  }
0x36: {  	v0 =	vor.u32 v1, v0  }
0x37: {  	v0 =	vshrl.u32 v0, $0x3  }
0x38: {  	s14 =	smul.u32 $0xA000, s14;
	_ =	sdelay $0x1  }
0x39: {  	s14 =	sshrl.u32 s14, $0x2  }
0x3a: {  	s14 =	sor.u32 $0xA0, s14  }
0x3b: {  	[tilespmem:s14], [sflag:$0x1] =	stream.indirect_vreg.gather [hbm:s5], $0x80, v0, vm0, $0x38;
	[tilespmem:$0x50A0] =	vst v63  }
0x3c: {  	s17 =	sadd.s32 $0x10, s16;
	s15 =	sadd.s32 $0x400, s14  }
0x3d: {  	[tilespmem:s15], [sflag:$0x1] =	stream.indirect_vreg.gather [hbm:s5], $0x80, v0, vm1, $0x38;
	[tilespmem:$0x50A0] =	vst v63  }
0x3e: {  	s18 =	simm.s32 $0x80;
	v0 =	vld.msk [tilespmem:s17+$0x0 ss:$0x1], $0xffff;
	s17 =	smov.u32 s14  }
.LBB2_3:
0x3f: {  	p1 =	sne.s32 s18, $0x100;
	_ =	sdelay $0x4  }
0x40: {  	v1 =	vand.u32 $0x3, v0;
	v2 =	vshll.u32 v0, $0x5  }
0x41: {  	vm2 =	veq.s32 v0, $0x80000000;
	v0 =	vmul.u32 $0x271000, v1;
	v1 =	vand.u32 $0x3FFF80, v2  }
0x42: {  	v1 =	vsel vm2, $0xFFFFFF80, v1  }
0x43: {  	v0 =	vsel vm2, $0xFFD8F000, v0;
	v2 =	vand.u32 $0xFFFFFC00, v1  }
0x44: {  	v1 =	vand.u32 $0x380, v1;
	v0 =	vadd.s32 v0, v2  }
0x45: {  	v0 =	vor.u32 v1, v0  }
0x46: {  	v0 =	vshrl.u32 v0, $0x3;
	_ =	sdelay $0x3  }
.Ltmp3:
0x47: {  	s19 =	sshra.s32 s18, $0x2;
	s17 =	sadd.s32 $0x800, s17;
	(pc) =	sbr.rel @p1 .LBB2_3-.Ltmp3, $4  }
0x48: {  	[tilespmem:s17], [sflag:$0x1] =	stream.indirect_vreg.gather [hbm:s5], $0x80, v0, vm0, $0x38;
	[tilespmem:$0x50A0] =	vst v63  }
0x49: {  	s19 =	sadd.s32 s19, s16;
	s20 =	sadd.s32 $0x400, s17  }
0x4a: {  	[tilespmem:s20], [sflag:$0x1] =	stream.indirect_vreg.gather [hbm:s5], $0x80, v0, vm1, $0x38;
	[tilespmem:$0x50A0] =	vst v63  }
0x4b: {  	s18 =	sadd.s32 $0x40, s18;
	v0 =	vld.msk [tilespmem:s19+$0x0 ss:$0x1], $0xffff  }
0x4c: {  	_ =	sdelay $0x3  }
0x4d: {  	v1 =	vand.u32 $0x3, v0;
	v2 =	vshll.u32 v0, $0x5  }
0x4e: {  	vm2 =	veq.s32 v0, $0x80000000;
	v61 =	vmul.u32 $0x271000, v1;
	v62 =	vand.u32 $0x3FFF80, v2  }
0x4f: {  	v1 =	vsel vm2, $0xFFFFFF80, v62  }
0x50: {  	v0 =	vsel vm2, $0xFFD8F000, v61;
	v63 =	vand.u32 $0xFFFFFC00, v1  }
0x51: {  	v1 =	vand.u32 $0x380, v1;
	v0 =	vadd.s32 v0, v63  }
0x52: {  	v0 =	vor.u32 v1, v0  }
0x53: {  	v0 =	vshrl.u32 v0, $0x3;
	_ =	sdelay $0x3  }
0x54: {  	s16 =	sadd.s32 $0x800, s17  }
0x55: {  	[tilespmem:s16], [sflag:$0x1] =	stream.indirect_vreg.gather [hbm:s5], $0x80, v0, vm0, $0x38;
	[tilespmem:$0x50A0] =	vst v63  }
0x56: {  	s16 =	sadd.s32 $0x400, s16  }
0x57: {  	[tilespmem:s16], [sflag:$0x1] =	stream.indirect_vreg.gather [hbm:s5], $0x80, v0, vm1, $0x38;
	[tilespmem:$0x50A0] =	vst v63  }
0x58: {  	s13 =	sshll.u32 s13, $0x4;
	_ =	swait.ge [sflag:s6], $0x2800  }
0x59: {  	s13 =	sadd.s32 s13, s9;
	[sflag:s6] =	ssyncset.done $0x0  }
0x5a: {  	s17 =	sadd.s32 $0x0, s13;
	s16 =	simm.s32 $0x80;
	[sflag:s6] =	ssyncadd.s32 $0xFFFFD800  }
.LBB2_5:
0x5b: {  	[hbm:s17] =	stream.linear.scatter [tilespmem:s14], [sflag:$0x3], $0x400, $0x38;
	[tilespmem:$0x50A0] =	vst v63  }
0x5c: {  	s17 =	smov.u32 s16;
	s14 =	smov.u32 s15;
	p1 =	sne.s32 s16, $0x480  }
.Ltmp4:
0x5d: {  	s16 =	sadd.s32 $0x80, s16;
	(pc) =	sbr.rel @p1 .LBB2_5-.Ltmp4, $2  }
0x5e: {  	_ =	sdelay $0x2  }
0x5f: {  	s15 =	sadd.s32 $0x400, s15;
	s17 =	sadd.s32 s17, s13  }
.Ltmp5:
0x60: {  	_ = 	snop;
	(pc) =	sbr.rel .LBB2_6-.Ltmp5, $1  }
0x61: {  	_ =	sdelay $0x3  }
.LBB2_8:
0x62: {  	_ =	sfence.sel $0x180000  }
0x63: {  	s2 =	simm.s32 $0x2;
	[bflag:$0x0] =	sbarrier.arrive $0xFFFF  }
0x64: {  	s30 =	simm.s32 $0x3;
	[sflag:s2] =	ssyncpa.u1 $0x1  }
0x65: {  	s31 =	simm.s32 $0x1;
	[sflag:s30] =	ssyncpa.u1 $0x1  }
0x66: {  	[sflag:s31] =	ssyncpa.u1 $0x1  }
0x67: {  	p0 =	sne.s32 s0, $0x0;
	_ =	strace $0x9000004A  }
0x68: {  	s0 =	sadd.s32 @!p0 $0x100000, s1;
	[bflag:$0x2] =	sbarrier.arrive $0xFFFF  }
0x69: {  	[sflag:s0] =	ssyncadd.tile.s32 @!p0 $0x1;
	_ =	shalt  }
.Lfunc_end2:
_tile_overlayer_lowered:
.L_overlay_start_2:
0x6a: {  	(tag) =	ssettag $0x2  }
0x6b: {  	s0 =	rddreg [dreg:$0x0];
	s2 =	stileid.u32  }
0x6c: {  	s1 =	rddreg [dreg:$0x1];
	p0 =	sne.s32 s2, $0x0  }
0x6d: {  	s3 =	rddreg [dreg:$0x2];
	[bflag:$0x3] =	sbarrier.arrive $0xFFFF;
	s2 =	simm.s32 @!p0 $0x1C01  }
0x6e: {  	[timem:s3], [sflag:s2] =	dma.local @!p0 [hbm:s0], s1  }
0x6f: {  	s0 =	simm.s32 @!p0 $0x1  }
0x70: {  	_ =	swait.ge @!p0 [sflag:s0], s1  }
0x71: {  	s1 =	ssub.s32 @!p0 $0x0, s1;
	[sflag:s0] =	ssyncset.done @!p0 $0x0  }
0x72: {  	[sflag:s0] =	ssyncadd.s32 @!p0 s1  }
0x73: {  	[bflag:$0x3] =	sbarrier.arrive $0xFFFF  }
0x74: {  	_ =	shalt  }

</sc_bundles>
